<compile_context>
chip_gen: v7x
topology: tpu7x:2x2x1
jax: 0.10.2.dev20260603
libtpu: 0.0.44.dev20260713+nightly
codegen_flags: <defaults>
</compile_context>

<pallas_src>
import functools

import jax
import jax.numpy as jnp
from jax import lax
from jax.experimental import pallas as pl
from jax.experimental.pallas import tpu as pltpu
from jax.experimental.pallas import tpu_sc as plsc

_VOCAB = 2048
_HIDDEN = 32
_BATCH = 4
_SEQ = 8192

_NUM_CORES = 2
_NUM_SUBCORES = 16
_NW = _NUM_CORES * _NUM_SUBCORES
_TOTAL = _BATCH * _SEQ
_PER_W = _TOTAL // _NW
_CHUNK = 128
_NCH = _PER_W // _CHUNK

_W_PER_B = _NW // _BATCH
_SBLK = 8192
_NSB = _SEQ // _SBLK
_ROWS = _TOTAL * _HIDDEN // 128
_RBLK = _SBLK * _HIDDEN // 128

_sc_mesh = plsc.VectorSubcoreMesh(
    core_axis_name="c", subcore_axis_name="s",
    num_cores=_NUM_CORES, num_subcores=_NUM_SUBCORES,
)


@functools.partial(
    pl.kernel,
    out_type=jax.ShapeDtypeStruct((_TOTAL, _HIDDEN), jnp.float32),
    mesh=_sc_mesh,
    scratch_types=[
        pltpu.VMEM((4 * 264,), jnp.int32),
        pltpu.VMEM((_NCH, _CHUNK), jnp.int32),
        pltpu.VMEM((_NCH, _CHUNK, _HIDDEN), jnp.float32),
        pltpu.SemaphoreType.DMA,
        pltpu.SemaphoreType.DMA,
    ],
    compiler_params=pltpu.CompilerParams(
        use_tc_tiling_on_sc=False, needs_layout_passes=False),
)
def _sc_gather(ids_hbm, table_hbm, out_hbm, ids4_v, idx_v, rows_v, sem_g, sem_w):
    wid = lax.axis_index("s") * _NUM_CORES + lax.axis_index("c")
    base = wid * _PER_W
    b = wid // _W_PER_B
    k0 = (wid % _W_PER_B) * (_PER_W // 4)
    id_copies = [
        pltpu.async_copy(
            ids_hbm.at[b, pl.ds(q * (_SEQ // 4) + k0, _PER_W // 4)],
            ids4_v.at[pl.ds(q * 264, _PER_W // 4)], sem_w)
        for q in range(4)
    ]
    for c in id_copies:
        c.wait()
    lane = lax.iota(jnp.int32, 16)
    base_pat = (lane & 3) * 264 + (lane >> 2)
    gathers = []
    for j in range(_NCH):
        for v in range(8):
            u = j * 8 + v
            vec = plsc.load_gather(ids4_v, [base_pat + (4 * u)])
            idx_v[j, pl.ds(v * 16, 16)] = vec
        gathers.append(pltpu.async_copy(
            table_hbm.at[idx_v.at[j]],
            rows_v.at[j], sem_g))
    writes = []
    for j in range(_NCH):
        gathers[j].wait()
        writes.append(pltpu.async_copy(
            rows_v.at[j],
            out_hbm.at[pl.ds(base + j * _CHUNK, _CHUNK)],
            sem_w))
    for w in writes:
        w.wait()


def _proj_body(g_ref, w4_ref, b4_ref, out_ref):
    y = jnp.dot(
        g_ref[...], w4_ref[...], preferred_element_type=jnp.float32,
    ) + b4_ref[...]
    yt = y.T
    out_ref[...] = jnp.concatenate(
        [yt[32 * q:32 * (q + 1)] for q in range(4)], axis=1,
    )[None]


def _project_packed(g, proj_W, proj_b):
    w4 = jnp.kron(jnp.eye(4, dtype=jnp.float32), proj_W.T)
    b4 = jnp.tile(proj_b, 4)[None]
    return pl.pallas_call(
        _proj_body,
        grid=(_BATCH, _NSB),
        in_specs=[
            pl.BlockSpec((_RBLK, 128), lambda b, sb: (b * _NSB + sb, 0)),
            pl.BlockSpec((128, 128), lambda b, sb: (0, 0)),
            pl.BlockSpec((1, 128), lambda b, sb: (0, 0)),
        ],
        out_specs=pl.BlockSpec((1, _HIDDEN, _SBLK), lambda b, sb: (b, 0, sb)),
        out_shape=jax.ShapeDtypeStruct((_BATCH, _HIDDEN, _SEQ), jnp.float32),
    )(g, w4, b4)


def kernel(input_ids, attention_mask, return_dict, embed_table, proj_W, proj_b):
    del attention_mask, return_dict
    g = _sc_gather(input_ids.astype(jnp.int32), embed_table)
    yt = _project_packed(g.reshape(_ROWS, 128), proj_W, proj_b)
    return yt.transpose(0, 2, 1)

# --- scband reference (transcript-rebuilt; emitter-appended) ---
"""Pipeline reference for scband-dummy-language-model-6640019439817 (READ-ONLY COPY).

The authoritative reference and input builder live on the scoring server;
editing this copy changes nothing except your own understanding.
"""

import jax, jax.numpy as jnp
import numpy as np

VOCAB = 2048
HIDDEN = 32
BATCH = 4
SEQ = 8192

def setup_inputs(seed: int = 0) -> dict:
    key = jax.random.key(seed)
    k1, k2, k3, k4 = jax.random.split(key, 4)
    input_ids = jax.random.randint(k1, (BATCH, SEQ), 0, VOCAB)
    attention_mask = jnp.ones((BATCH, SEQ), dtype=jnp.int32)
    return_dict = True
    embed_table = jax.random.normal(k2, (VOCAB, HIDDEN), dtype=jnp.float32)
    # nn.Linear(32, 32): weight [out, in], bias [out]
    proj_W = jax.random.normal(k3, (HIDDEN, HIDDEN), dtype=jnp.float32) * (1.0 / np.sqrt(HIDDEN))
    proj_b = jax.random.normal(k4, (HIDDEN,), dtype=jnp.float32) * 0.01
    return {
        "input_ids": input_ids,
        "attention_mask": attention_mask,
        "return_dict": return_dict,
        "embed_table": embed_table,
        "proj_W": proj_W,
        "proj_b": proj_b,
    }

def reference(input_ids, attention_mask, return_dict, embed_table, proj_W, proj_b):
    # attention_mask and return_dict are deleted in the original forward
    del attention_mask, return_dict
    emb = jnp.take(embed_table, input_ids, axis=0)  # [B, S, H]
    # torch Linear: y = x @ W.T + b
    hidden = jnp.einsum('bsh,oh->bso', emb, proj_W) + proj_b
    return hidden

if __name__ == "__main__":
    import jax
    _d = setup_inputs()
    print(jax.jit(kernel)(*tuple(_d.values())))

</pallas_src>

<mosaic_0001>
#map = affine_map<(d0, d1) -> (0, 0)>
module attributes {stable_mosaic.version = 14 : i64} {
  func.func @_sc_gather(%arg0: i32, %arg1: i32, %arg2: memref<4x8192xi32, #tpu.memory_space<hbm>>, %arg3: memref<2048x32xf32, #tpu.memory_space<hbm>>, %arg4: memref<32768x32xf32, #tpu.memory_space<hbm>>, %arg5: memref<1056xi32, #tpu.memory_space<vmem>>, %arg6: memref<8x128xi32, #tpu.memory_space<vmem>>, %arg7: memref<8x128x32xf32, #tpu.memory_space<vmem>>, %arg8: memref<!tpu.dma_semaphore, #tpu.memory_space<semaphore_mem>>, %arg9: memref<!tpu.dma_semaphore, #tpu.memory_space<semaphore_mem>>) attributes {dimension_semantics = [#tpu.dimension_semantics<core_parallel>, #tpu.dimension_semantics<subcore_parallel>], iteration_bounds = array<i64: 2, 16>, scalar_prefetch = 0 : i64, scratch_operands = 5 : i64, tpu.core_type = #tpu.core_type<sc_vector_subcore>, window_params = [{transform_indices = #map}, {transform_indices = #map}, {transform_indices = #map}]} {
    %mul3A = arith.constant 2 : i32
    %mul3A_0 = arith.muli %arg1, %mul3A : i32
    %add3A = arith.addi %mul3A_0, %arg0 : i32
    %mul3A_1 = arith.constant 1024 : i32
    %mul3A_2 = arith.muli %add3A, %mul3A_1 : i32
    %jit3A = arith.constant 8 : i32
    %div3A = arith.divsi %add3A, %jit3A : i32
    %sign3A = arith.constant 0 : i32
    %sign3A_3 = arith.cmpi sgt, %add3A, %sign3A : i32
    %sign3A_4 = arith.extui %sign3A_3 : i1 to i32
    %sign3A_5 = arith.constant 0 : i32
    %sign3A_6 = arith.cmpi slt, %add3A, %sign3A_5 : i32
    %sign3A_7 = arith.extui %sign3A_6 : i1 to i32
    %sign3A_8 = arith.subi %sign3A_4, %sign3A_7 : i32
    %sign3A_9 = arith.constant 0 : i32
    %sign3A_10 = arith.cmpi sgt, %jit3A, %sign3A_9 : i32
    %sign3A_11 = arith.extui %sign3A_10 : i1 to i32
    %sign3A_12 = arith.constant 0 : i32
    %sign3A_13 = arith.cmpi slt, %jit3A, %sign3A_12 : i32
    %sign3A_14 = arith.extui %sign3A_13 : i1 to i32
    %sign3A_15 = arith.subi %sign3A_11, %sign3A_14 : i32
    %ne3A = arith.cmpi ne, %sign3A_8, %sign3A_15 : i32
    %rem3A = arith.remsi %add3A, %jit3A : i32
    %ne3A_16 = arith.constant 0 : i32
    %ne3A_17 = arith.cmpi ne, %rem3A, %ne3A_16 : i32
    %and3A = arith.andi %ne3A, %ne3A_17 : i1
    %sub3A = arith.constant 1 : i32
    %sub3A_18 = arith.subi %div3A, %sub3A : i32
    %select_n3A = arith.select %and3A, %sub3A_18, %div3A : i32
    %jit3A_19 = arith.constant 8 : i32
    %eq3A = arith.constant 0 : i32
    %eq3A_20 = arith.cmpi eq, %jit3A_19, %eq3A : i32
    %jit3A_21 = arith.constant 1 : i32
    %select_n3A_22 = arith.select %eq3A_20, %jit3A_21, %jit3A_19 : i32
    %rem3A_23 = arith.remsi %add3A, %select_n3A_22 : i32
    %ne3A_24 = arith.constant 0 : i32
    %ne3A_25 = arith.cmpi ne, %rem3A_23, %ne3A_24 : i32
    %lt3A = arith.constant 0 : i32
    %lt3A_26 = arith.cmpi slt, %rem3A_23, %lt3A : i32
    %lt3A_27 = arith.constant 0 : i32
    %lt3A_28 = arith.cmpi slt, %select_n3A_22, %lt3A_27 : i32
    %ne3A_29 = arith.xori %lt3A_26, %lt3A_28 : i1
    %and3A_30 = arith.andi %ne3A_29, %ne3A_25 : i1
    %add3A_31 = arith.addi %rem3A_23, %select_n3A_22 : i32
    %select_n3A_32 = arith.select %and3A_30, %add3A_31, %rem3A_23 : i32
    %mul3A_33 = arith.constant 256 : i32
    %mul3A_34 = arith.muli %select_n3A_32, %mul3A_33 : i32
    %add3A_35 = arith.constant 0 : i32
    %add3A_36 = arith.addi %add3A_35, %mul3A_34 : i32
    %dma_start3A = arith.constant 0 : i32
    %dma_start3A_37 = tpu.memref_slice %arg5[%dma_start3A] : memref<1056xi32, #tpu.memory_space<vmem>> -> memref<256xi32, #tpu.memory_space<vmem>>
    %dma_start3A_38 = tpu.memref_slice %arg2[%select_n3A, %add3A_36] : memref<4x8192xi32, #tpu.memory_space<hbm>> -> memref<1x256xi32, #tpu.memory_space<hbm>>
    %dma_start3A_39 = tpu.memref_squeeze %dma_start3A_38 : memref<1x256xi32, #tpu.memory_space<hbm>> -> memref<256xi32, #tpu.memory_space<hbm>>
    %dma_start3A_40 = arith.constant 0 : i32
    %dma_start3A_41 = tpu.memref_slice %arg5[%dma_start3A_40] : memref<1056xi32, #tpu.memory_space<vmem>> -> memref<256xi32, #tpu.memory_space<vmem>>
    %dma_start3A_42 = tpu.memref_slice %arg2[%select_n3A, %add3A_36] : memref<4x8192xi32, #tpu.memory_space<hbm>> -> memref<1x256xi32, #tpu.memory_space<hbm>>
    %dma_start3A_43 = tpu.memref_squeeze %dma_start3A_42 : memref<1x256xi32, #tpu.memory_space<hbm>> -> memref<256xi32, #tpu.memory_space<hbm>>
    tpu.enqueue_dma source(%dma_start3A_43 : memref<256xi32, #tpu.memory_space<hbm>>) target(%dma_start3A_41 : memref<256xi32, #tpu.memory_space<vmem>>) target_semaphore(%arg9 : memref<!tpu.dma_semaphore, #tpu.memory_space<semaphore_mem>>)
    %add3A_44 = arith.constant 2048 : i32
    %add3A_45 = arith.addi %add3A_44, %mul3A_34 : i32
    %dma_start3A_46 = arith.constant 264 : i32
    %dma_start3A_47 = tpu.memref_slice %arg5[%dma_start3A_46] : memref<1056xi32, #tpu.memory_space<vmem>> -> memref<256xi32, #tpu.memory_space<vmem>>
    %dma_start3A_48 = tpu.memref_slice %arg2[%select_n3A, %add3A_45] : memref<4x8192xi32, #tpu.memory_space<hbm>> -> memref<1x256xi32, #tpu.memory_space<hbm>>
    %dma_start3A_49 = tpu.memref_squeeze %dma_start3A_48 : memref<1x256xi32, #tpu.memory_space<hbm>> -> memref<256xi32, #tpu.memory_space<hbm>>
    %dma_start3A_50 = arith.constant 264 : i32
    %dma_start3A_51 = tpu.memref_slice %arg5[%dma_start3A_50] : memref<1056xi32, #tpu.memory_space<vmem>> -> memref<256xi32, #tpu.memory_space<vmem>>
    %dma_start3A_52 = tpu.memref_slice %arg2[%select_n3A, %add3A_45] : memref<4x8192xi32, #tpu.memory_space<hbm>> -> memref<1x256xi32, #tpu.memory_space<hbm>>
    %dma_start3A_53 = tpu.memref_squeeze %dma_start3A_52 : memref<1x256xi32, #tpu.memory_space<hbm>> -> memref<256xi32, #tpu.memory_space<hbm>>
    tpu.enqueue_dma source(%dma_start3A_53 : memref<256xi32, #tpu.memory_space<hbm>>) target(%dma_start3A_51 : memref<256xi32, #tpu.memory_space<vmem>>) target_semaphore(%arg9 : memref<!tpu.dma_semaphore, #tpu.memory_space<semaphore_mem>>)
    %add3A_54 = arith.constant 4096 : i32
    %add3A_55 = arith.addi %add3A_54, %mul3A_34 : i32
    %dma_start3A_56 = arith.constant 528 : i32
    %dma_start3A_57 = tpu.memref_slice %arg5[%dma_start3A_56] : memref<1056xi32, #tpu.memory_space<vmem>> -> memref<256xi32, #tpu.memory_space<vmem>>
    %dma_start3A_58 = tpu.memref_slice %arg2[%select_n3A, %add3A_55] : memref<4x8192xi32, #tpu.memory_space<hbm>> -> memref<1x256xi32, #tpu.memory_space<hbm>>
    %dma_start3A_59 = tpu.memref_squeeze %dma_start3A_58 : memref<1x256xi32, #tpu.memory_space<hbm>> -> memref<256xi32, #tpu.memory_space<hbm>>
    %dma_start3A_60 = arith.constant 528 : i32
    %dma_start3A_61 = tpu.memref_slice %arg5[%dma_start3A_60] : memref<1056xi32, #tpu.memory_space<vmem>> -> memref<256xi32, #tpu.memory_space<vmem>>
    %dma_start3A_62 = tpu.memref_slice %arg2[%select_n3A, %add3A_55] : memref<4x8192xi32, #tpu.memory_space<hbm>> -> memref<1x256xi32, #tpu.memory_space<hbm>>
    %dma_start3A_63 = tpu.memref_squeeze %dma_start3A_62 : memref<1x256xi32, #tpu.memory_space<hbm>> -> memref<256xi32, #tpu.memory_space<hbm>>
    tpu.enqueue_dma source(%dma_start3A_63 : memref<256xi32, #tpu.memory_space<hbm>>) target(%dma_start3A_61 : memref<256xi32, #tpu.memory_space<vmem>>) target_semaphore(%arg9 : memref<!tpu.dma_semaphore, #tpu.memory_space<semaphore_mem>>)
    %add3A_64 = arith.constant 6144 : i32
    %add3A_65 = arith.addi %add3A_64, %mul3A_34 : i32
    %dma_start3A_66 = arith.constant 792 : i32
    %dma_start3A_67 = tpu.memref_slice %arg5[%dma_start3A_66] : memref<1056xi32, #tpu.memory_space<vmem>> -> memref<256xi32, #tpu.memory_space<vmem>>
    %dma_start3A_68 = tpu.memref_slice %arg2[%select_n3A, %add3A_65] : memref<4x8192xi32, #tpu.memory_space<hbm>> -> memref<1x256xi32, #tpu.memory_space<hbm>>
    %dma_start3A_69 = tpu.memref_squeeze %dma_start3A_68 : memref<1x256xi32, #tpu.memory_space<hbm>> -> memref<256xi32, #tpu.memory_space<hbm>>
    %dma_start3A_70 = arith.constant 792 : i32
    %dma_start3A_71 = tpu.memref_slice %arg5[%dma_start3A_70] : memref<1056xi32, #tpu.memory_space<vmem>> -> memref<256xi32, #tpu.memory_space<vmem>>
    %dma_start3A_72 = tpu.memref_slice %arg2[%select_n3A, %add3A_65] : memref<4x8192xi32, #tpu.memory_space<hbm>> -> memref<1x256xi32, #tpu.memory_space<hbm>>
    %dma_start3A_73 = tpu.memref_squeeze %dma_start3A_72 : memref<1x256xi32, #tpu.memory_space<hbm>> -> memref<256xi32, #tpu.memory_space<hbm>>
    tpu.enqueue_dma source(%dma_start3A_73 : memref<256xi32, #tpu.memory_space<hbm>>) target(%dma_start3A_71 : memref<256xi32, #tpu.memory_space<vmem>>) target_semaphore(%arg9 : memref<!tpu.dma_semaphore, #tpu.memory_space<semaphore_mem>>)
    %dma_wait3A = arith.constant 0 : i32
    %dma_wait3A_74 = tpu.memref_slice %arg5[%dma_wait3A] : memref<1056xi32, #tpu.memory_space<vmem>> -> memref<256xi32, #tpu.memory_space<vmem>>
    %dma_wait3A_75 = tpu.memref_slice %arg2[%select_n3A, %add3A_36] : memref<4x8192xi32, #tpu.memory_space<hbm>> -> memref<1x256xi32, #tpu.memory_space<hbm>>
    %dma_wait3A_76 = tpu.memref_squeeze %dma_wait3A_75 : memref<1x256xi32, #tpu.memory_space<hbm>> -> memref<256xi32, #tpu.memory_space<hbm>>
    %dma_wait3A_77 = arith.constant 0 : i32
    %dma_wait3A_78 = tpu.memref_slice %arg5[%dma_wait3A_77] : memref<1056xi32, #tpu.memory_space<vmem>> -> memref<256xi32, #tpu.memory_space<vmem>>
    %dma_wait3A_79 = tpu.memref_slice %arg2[%select_n3A, %add3A_36] : memref<4x8192xi32, #tpu.memory_space<hbm>> -> memref<1x256xi32, #tpu.memory_space<hbm>>
    %dma_wait3A_80 = tpu.memref_squeeze %dma_wait3A_79 : memref<1x256xi32, #tpu.memory_space<hbm>> -> memref<256xi32, #tpu.memory_space<hbm>>
    tpu.wait_dma2 semaphore(%arg9 : memref<!tpu.dma_semaphore, #tpu.memory_space<semaphore_mem>>) src(%dma_wait3A_80 : memref<256xi32, #tpu.memory_space<hbm>>) dst(%dma_wait3A_78 : memref<256xi32, #tpu.memory_space<vmem>>)
    %dma_wait3A_81 = arith.constant 264 : i32
    %dma_wait3A_82 = tpu.memref_slice %arg5[%dma_wait3A_81] : memref<1056xi32, #tpu.memory_space<vmem>> -> memref<256xi32, #tpu.memory_space<vmem>>
    %dma_wait3A_83 = tpu.memref_slice %arg2[%select_n3A, %add3A_45] : memref<4x8192xi32, #tpu.memory_space<hbm>> -> memref<1x256xi32, #tpu.memory_space<hbm>>
    %dma_wait3A_84 = tpu.memref_squeeze %dma_wait3A_83 : memref<1x256xi32, #tpu.memory_space<hbm>> -> memref<256xi32, #tpu.memory_space<hbm>>
    %dma_wait3A_85 = arith.constant 264 : i32
    %dma_wait3A_86 = tpu.memref_slice %arg5[%dma_wait3A_85] : memref<1056xi32, #tpu.memory_space<vmem>> -> memref<256xi32, #tpu.memory_space<vmem>>
    %dma_wait3A_87 = tpu.memref_slice %arg2[%select_n3A, %add3A_45] : memref<4x8192xi32, #tpu.memory_space<hbm>> -> memref<1x256xi32, #tpu.memory_space<hbm>>
    %dma_wait3A_88 = tpu.memref_squeeze %dma_wait3A_87 : memref<1x256xi32, #tpu.memory_space<hbm>> -> memref<256xi32, #tpu.memory_space<hbm>>
    tpu.wait_dma2 semaphore(%arg9 : memref<!tpu.dma_semaphore, #tpu.memory_space<semaphore_mem>>) src(%dma_wait3A_88 : memref<256xi32, #tpu.memory_space<hbm>>) dst(%dma_wait3A_86 : memref<256xi32, #tpu.memory_space<vmem>>)
    %dma_wait3A_89 = arith.constant 528 : i32
    %dma_wait3A_90 = tpu.memref_slice %arg5[%dma_wait3A_89] : memref<1056xi32, #tpu.memory_space<vmem>> -> memref<256xi32, #tpu.memory_space<vmem>>
    %dma_wait3A_91 = tpu.memref_slice %arg2[%select_n3A, %add3A_55] : memref<4x8192xi32, #tpu.memory_space<hbm>> -> memref<1x256xi32, #tpu.memory_space<hbm>>
    %dma_wait3A_92 = tpu.memref_squeeze %dma_wait3A_91 : memref<1x256xi32, #tpu.memory_space<hbm>> -> memref<256xi32, #tpu.memory_space<hbm>>
    %dma_wait3A_93 = arith.constant 528 : i32
    %dma_wait3A_94 = tpu.memref_slice %arg5[%dma_wait3A_93] : memref<1056xi32, #tpu.memory_space<vmem>> -> memref<256xi32, #tpu.memory_space<vmem>>
    %dma_wait3A_95 = tpu.memref_slice %arg2[%select_n3A, %add3A_55] : memref<4x8192xi32, #tpu.memory_space<hbm>> -> memref<1x256xi32, #tpu.memory_space<hbm>>
    %dma_wait3A_96 = tpu.memref_squeeze %dma_wait3A_95 : memref<1x256xi32, #tpu.memory_space<hbm>> -> memref<256xi32, #tpu.memory_space<hbm>>
    tpu.wait_dma2 semaphore(%arg9 : memref<!tpu.dma_semaphore, #tpu.memory_space<semaphore_mem>>) src(%dma_wait3A_96 : memref<256xi32, #tpu.memory_space<hbm>>) dst(%dma_wait3A_94 : memref<256xi32, #tpu.memory_space<vmem>>)
    %dma_wait3A_97 = arith.constant 792 : i32
    %dma_wait3A_98 = tpu.memref_slice %arg5[%dma_wait3A_97] : memref<1056xi32, #tpu.memory_space<vmem>> -> memref<256xi32, #tpu.memory_space<vmem>>
    %dma_wait3A_99 = tpu.memref_slice %arg2[%select_n3A, %add3A_65] : memref<4x8192xi32, #tpu.memory_space<hbm>> -> memref<1x256xi32, #tpu.memory_space<hbm>>
    %dma_wait3A_100 = tpu.memref_squeeze %dma_wait3A_99 : memref<1x256xi32, #tpu.memory_space<hbm>> -> memref<256xi32, #tpu.memory_space<hbm>>
    %dma_wait3A_101 = arith.constant 792 : i32
    %dma_wait3A_102 = tpu.memref_slice %arg5[%dma_wait3A_101] : memref<1056xi32, #tpu.memory_space<vmem>> -> memref<256xi32, #tpu.memory_space<vmem>>
    %dma_wait3A_103 = tpu.memref_slice %arg2[%select_n3A, %add3A_65] : memref<4x8192xi32, #tpu.memory_space<hbm>> -> memref<1x256xi32, #tpu.memory_space<hbm>>
    %dma_wait3A_104 = tpu.memref_squeeze %dma_wait3A_103 : memref<1x256xi32, #tpu.memory_space<hbm>> -> memref<256xi32, #tpu.memory_space<hbm>>
    tpu.wait_dma2 semaphore(%arg9 : memref<!tpu.dma_semaphore, #tpu.memory_space<semaphore_mem>>) src(%dma_wait3A_104 : memref<256xi32, #tpu.memory_space<hbm>>) dst(%dma_wait3A_102 : memref<256xi32, #tpu.memory_space<vmem>>)
    %iota3A = tpu.iota {dimensions = array<i32: 0>} : vector<16xi32>
    %and3A_105 = arith.constant 3 : i32
    %and3A_106 = vector.broadcast %and3A_105 : i32 to vector<16xi32>
    %and3A_107 = arith.andi %iota3A, %and3A_106 : vector<16xi32>
    %mul3A_108 = arith.constant 264 : i32
    %mul3A_109 = vector.broadcast %mul3A_108 : i32 to vector<16xi32>
    %mul3A_110 = arith.muli %and3A_107, %mul3A_109 : vector<16xi32>
    %shift_right_arithmetic3A = arith.constant 2 : i32
    %shift_right_arithmetic3A_111 = vector.broadcast %shift_right_arithmetic3A : i32 to vector<16xi32>
    %shift_right_arithmetic3A_112 = arith.shrsi %iota3A, %shift_right_arithmetic3A_111 : vector<16xi32>
    %add3A_113 = arith.addi %mul3A_110, %shift_right_arithmetic3A_112 : vector<16xi32>
    %add3A_114 = arith.constant 0 : i32
    %add3A_115 = vector.broadcast %add3A_114 : i32 to vector<16xi32>
    %add3A_116 = arith.addi %add3A_113, %add3A_115 : vector<16xi32>
    %gather3A = tpu.vector_load_idx %arg5[%add3A_116] : memref<1056xi32, #tpu.memory_space<vmem>>[vector<16xi32>], vector<16xi32>,
    %swap3A = arith.constant 0 : i32
    %swap3A_117 = arith.index_cast %swap3A : i32 to index
    %swap3A_118 = arith.constant 0 : index
    %swap3A_119 = tpu.vector_load %arg6[%swap3A_117, %swap3A_118] {strides = array<i32>} : memref<8x128xi32, #tpu.memory_space<vmem>>, vector<16xi32>,
    tpu.vector_store %arg6[%swap3A_117, %swap3A_118], %gather3A {strides = array<i32>} : memref<8x128xi32, #tpu.memory_space<vmem>>, vector<16xi32>,
    %add3A_120 = arith.constant 4 : i32
    %add3A_121 = vector.broadcast %add3A_120 : i32 to vector<16xi32>
    %add3A_122 = arith.addi %add3A_113, %add3A_121 : vector<16xi32>
    %gather3A_123 = tpu.vector_load_idx %arg5[%add3A_122] : memref<1056xi32, #tpu.memory_space<vmem>>[vector<16xi32>], vector<16xi32>,
    %swap3A_124 = arith.constant 0 : i32
    %swap3A_125 = arith.index_cast %swap3A_124 : i32 to index
    %swap3A_126 = arith.constant 16 : index
    %swap3A_127 = tpu.vector_load %arg6[%swap3A_125, %swap3A_126] {strides = array<i32>} : memref<8x128xi32, #tpu.memory_space<vmem>>, vector<16xi32>,
    tpu.vector_store %arg6[%swap3A_125, %swap3A_126], %gather3A_123 {strides = array<i32>} : memref<8x128xi32, #tpu.memory_space<vmem>>, vector<16xi32>,
    %add3A_128 = arith.constant 8 : i32
    %add3A_129 = vector.broadcast %add3A_128 : i32 to vector<16xi32>
    %add3A_130 = arith.addi %add3A_113, %add3A_129 : vector<16xi32>
    %gather3A_131 = tpu.vector_load_idx %arg5[%add3A_130] : memref<1056xi32, #tpu.memory_space<vmem>>[vector<16xi32>], vector<16xi32>,
    %swap3A_132 = arith.constant 0 : i32
    %swap3A_133 = arith.index_cast %swap3A_132 : i32 to index
    %swap3A_134 = arith.constant 32 : index
    %swap3A_135 = tpu.vector_load %arg6[%swap3A_133, %swap3A_134] {strides = array<i32>} : memref<8x128xi32, #tpu.memory_space<vmem>>, vector<16xi32>,
    tpu.vector_store %arg6[%swap3A_133, %swap3A_134], %gather3A_131 {strides = array<i32>} : memref<8x128xi32, #tpu.memory_space<vmem>>, vector<16xi32>,
    %add3A_136 = arith.constant 12 : i32
    %add3A_137 = vector.broadcast %add3A_136 : i32 to vector<16xi32>
    %add3A_138 = arith.addi %add3A_113, %add3A_137 : vector<16xi32>
    %gather3A_139 = tpu.vector_load_idx %arg5[%add3A_138] : memref<1056xi32, #tpu.memory_space<vmem>>[vector<16xi32>], vector<16xi32>,
    %swap3A_140 = arith.constant 0 : i32
    %swap3A_141 = arith.index_cast %swap3A_140 : i32 to index
    %swap3A_142 = arith.constant 48 : index
    %swap3A_143 = tpu.vector_load %arg6[%swap3A_141, %swap3A_142] {strides = array<i32>} : memref<8x128xi32, #tpu.memory_space<vmem>>, vector<16xi32>,
    tpu.vector_store %arg6[%swap3A_141, %swap3A_142], %gather3A_139 {strides = array<i32>} : memref<8x128xi32, #tpu.memory_space<vmem>>, vector<16xi32>,
    %add3A_144 = arith.constant 16 : i32
    %add3A_145 = vector.broadcast %add3A_144 : i32 to vector<16xi32>
    %add3A_146 = arith.addi %add3A_113, %add3A_145 : vector<16xi32>
    %gather3A_147 = tpu.vector_load_idx %arg5[%add3A_146] : memref<1056xi32, #tpu.memory_space<vmem>>[vector<16xi32>], vector<16xi32>,
    %swap3A_148 = arith.constant 0 : i32
    %swap3A_149 = arith.index_cast %swap3A_148 : i32 to index
    %swap3A_150 = arith.constant 64 : index
    %swap3A_151 = tpu.vector_load %arg6[%swap3A_149, %swap3A_150] {strides = array<i32>} : memref<8x128xi32, #tpu.memory_space<vmem>>, vector<16xi32>,
    tpu.vector_store %arg6[%swap3A_149, %swap3A_150], %gather3A_147 {strides = array<i32>} : memref<8x128xi32, #tpu.memory_space<vmem>>, vector<16xi32>,
    %add3A_152 = arith.constant 20 : i32
    %add3A_153 = vector.broadcast %add3A_152 : i32 to vector<16xi32>
    %add3A_154 = arith.addi %add3A_113, %add3A_153 : vector<16xi32>
    %gather3A_155 = tpu.vector_load_idx %arg5[%add3A_154] : memref<1056xi32, #tpu.memory_space<vmem>>[vector<16xi32>], vector<16xi32>,
    %swap3A_156 = arith.constant 0 : i32
    %swap3A_157 = arith.index_cast %swap3A_156 : i32 to index
    %swap3A_158 = arith.constant 80 : index
    %swap3A_159 = tpu.vector_load %arg6[%swap3A_157, %swap3A_158] {strides = array<i32>} : memref<8x128xi32, #tpu.memory_space<vmem>>, vector<16xi32>,
    tpu.vector_store %arg6[%swap3A_157, %swap3A_158], %gather3A_155 {strides = array<i32>} : memref<8x128xi32, #tpu.memory_space<vmem>>, vector<16xi32>,
    %add3A_160 = arith.constant 24 : i32
    %add3A_161 = vector.broadcast %add3A_160 : i32 to vector<16xi32>
    %add3A_162 = arith.addi %add3A_113, %add3A_161 : vector<16xi32>
    %gather3A_163 = tpu.vector_load_idx %arg5[%add3A_162] : memref<1056xi32, #tpu.memory_space<vmem>>[vector<16xi32>], vector<16xi32>,
    %swap3A_164 = arith.constant 0 : i32
    %swap3A_165 = arith.index_cast %swap3A_164 : i32 to index
    %swap3A_166 = arith.constant 96 : index
    %swap3A_167 = tpu.vector_load %arg6[%swap3A_165, %swap3A_166] {strides = array<i32>} : memref<8x128xi32, #tpu.memory_space<vmem>>, vector<16xi32>,
    tpu.vector_store %arg6[%swap3A_165, %swap3A_166], %gather3A_163 {strides = array<i32>} : memref<8x128xi32, #tpu.memory_space<vmem>>, vector<16xi32>,
    %add3A_168 = arith.constant 28 : i32
    %add3A_169 = vector.broadcast %add3A_168 : i32 to vector<16xi32>
    %add3A_170 = arith.addi %add3A_113, %add3A_169 : vector<16xi32>
    %gather3A_171 = tpu.vector_load_idx %arg5[%add3A_170] : memref<1056xi32, #tpu.memory_space<vmem>>[vector<16xi32>], vector<16xi32>,
    %swap3A_172 = arith.constant 0 : i32
    %swap3A_173 = arith.index_cast %swap3A_172 : i32 to index
    %swap3A_174 = arith.constant 112 : index
    %swap3A_175 = tpu.vector_load %arg6[%swap3A_173, %swap3A_174] {strides = array<i32>} : memref<8x128xi32, #tpu.memory_space<vmem>>, vector<16xi32>,
    tpu.vector_store %arg6[%swap3A_173, %swap3A_174], %gather3A_171 {strides = array<i32>} : memref<8x128xi32, #tpu.memory_space<vmem>>, vector<16xi32>,
    %dma_start3A_176 = arith.constant 0 : i32
    %dma_start3A_177 = arith.constant 0 : i32
    %dma_start3A_178 = arith.constant 0 : i32
    %dma_start3A_179 = arith.constant 0 : i32
    %dma_start3A_180 = tpu.memref_slice %arg7[%dma_start3A_177, %dma_start3A_178, %dma_start3A_179] : memref<8x128x32xf32, #tpu.memory_space<vmem>> -> memref<1x128x32xf32, #tpu.memory_space<vmem>>
    %dma_start3A_181 = tpu.memref_squeeze %dma_start3A_180 : memref<1x128x32xf32, #tpu.memory_space<vmem>> -> memref<128x32xf32, #tpu.memory_space<vmem>>
    %dma_start3A_182 = arith.constant 0 : i32
    %dma_start3A_183 = tpu.memref_slice %arg6[%dma_start3A_176, %dma_start3A_182] : memref<8x128xi32, #tpu.memory_space<vmem>> -> memref<1x128xi32, #tpu.memory_space<vmem>>
    %dma_start3A_184 = tpu.memref_squeeze %dma_start3A_183 : memref<1x128xi32, #tpu.memory_space<vmem>> -> memref<128xi32, #tpu.memory_space<vmem>>
    %dma_start3A_185 = arith.constant 0 : i32
    %dma_start3A_186 = arith.constant 0 : i32
    %dma_start3A_187 = tpu.memref_slice %arg3[%dma_start3A_185, %dma_start3A_186] : memref<2048x32xf32, #tpu.memory_space<hbm>> -> memref<2048x32xf32, #tpu.memory_space<hbm>>
    tpu.enqueue_indirect_dma source(%dma_start3A_187 : memref<2048x32xf32, #tpu.memory_space<hbm>>) target(%dma_start3A_181 : memref<128x32xf32, #tpu.memory_space<vmem>>) offsets(%dma_start3A_184 : memref<128xi32, #tpu.memory_space<vmem>>) semaphore(%arg8 : memref<!tpu.dma_semaphore, #tpu.memory_space<semaphore_mem>>)
    %add3A_188 = arith.constant 32 : i32
    %add3A_189 = vector.broadcast %add3A_188 : i32 to vector<16xi32>
    %add3A_190 = arith.addi %add3A_113, %add3A_189 : vector<16xi32>
    %gather3A_191 = tpu.vector_load_idx %arg5[%add3A_190] : memref<1056xi32, #tpu.memory_space<vmem>>[vector<16xi32>], vector<16xi32>,
    %swap3A_192 = arith.constant 1 : i32
    %swap3A_193 = arith.index_cast %swap3A_192 : i32 to index
    %swap3A_194 = arith.constant 0 : index
    %swap3A_195 = tpu.vector_load %arg6[%swap3A_193, %swap3A_194] {strides = array<i32>} : memref<8x128xi32, #tpu.memory_space<vmem>>, vector<16xi32>,
    tpu.vector_store %arg6[%swap3A_193, %swap3A_194], %gather3A_191 {strides = array<i32>} : memref<8x128xi32, #tpu.memory_space<vmem>>, vector<16xi32>,
    %add3A_196 = arith.constant 36 : i32
    %add3A_197 = vector.broadcast %add3A_196 : i32 to vector<16xi32>
    %add3A_198 = arith.addi %add3A_113, %add3A_197 : vector<16xi32>
    %gather3A_199 = tpu.vector_load_idx %arg5[%add3A_198] : memref<1056xi32, #tpu.memory_space<vmem>>[vector<16xi32>], vector<16xi32>,
    %swap3A_200 = arith.constant 1 : i32
    %swap3A_201 = arith.index_cast %swap3A_200 : i32 to index
    %swap3A_202 = arith.constant 16 : index
    %swap3A_203 = tpu.vector_load %arg6[%swap3A_201, %swap3A_202] {strides = array<i32>} : memref<8x128xi32, #tpu.memory_space<vmem>>, vector<16xi32>,
    tpu.vector_store %arg6[%swap3A_201, %swap3A_202], %gather3A_199 {strides = array<i32>} : memref<8x128xi32, #tpu.memory_space<vmem>>, vector<16xi32>,
    %add3A_204 = arith.constant 40 : i32
    %add3A_205 = vector.broadcast %add3A_204 : i32 to vector<16xi32>
    %add3A_206 = arith.addi %add3A_113, %add3A_205 : vector<16xi32>
    %gather3A_207 = tpu.vector_load_idx %arg5[%add3A_206] : memref<1056xi32, #tpu.memory_space<vmem>>[vector<16xi32>], vector<16xi32>,
    %swap3A_208 = arith.constant 1 : i32
    %swap3A_209 = arith.index_cast %swap3A_208 : i32 to index
    %swap3A_210 = arith.constant 32 : index
    %swap3A_211 = tpu.vector_load %arg6[%swap3A_209, %swap3A_210] {strides = array<i32>} : memref<8x128xi32, #tpu.memory_space<vmem>>, vector<16xi32>,
    tpu.vector_store %arg6[%swap3A_209, %swap3A_210], %gather3A_207 {strides = array<i32>} : memref<8x128xi32, #tpu.memory_space<vmem>>, vector<16xi32>,
    %add3A_212 = arith.constant 44 : i32
    %add3A_213 = vector.broadcast %add3A_212 : i32 to vector<16xi32>
    %add3A_214 = arith.addi %add3A_113, %add3A_213 : vector<16xi32>
    %gather3A_215 = tpu.vector_load_idx %arg5[%add3A_214] : memref<1056xi32, #tpu.memory_space<vmem>>[vector<16xi32>], vector<16xi32>,
    %swap3A_216 = arith.constant 1 : i32
    %swap3A_217 = arith.index_cast %swap3A_216 : i32 to index
    %swap3A_218 = arith.constant 48 : index
    %swap3A_219 = tpu.vector_load %arg6[%swap3A_217, %swap3A_218] {strides = array<i32>} : memref<8x128xi32, #tpu.memory_space<vmem>>, vector<16xi32>,
    tpu.vector_store %arg6[%swap3A_217, %swap3A_218], %gather3A_215 {strides = array<i32>} : memref<8x128xi32, #tpu.memory_space<vmem>>, vector<16xi32>,
    %add3A_220 = arith.constant 48 : i32
    %add3A_221 = vector.broadcast %add3A_220 : i32 to vector<16xi32>
    %add3A_222 = arith.addi %add3A_113, %add3A_221 : vector<16xi32>
    %gather3A_223 = tpu.vector_load_idx %arg5[%add3A_222] : memref<1056xi32, #tpu.memory_space<vmem>>[vector<16xi32>], vector<16xi32>,
    %swap3A_224 = arith.constant 1 : i32
    %swap3A_225 = arith.index_cast %swap3A_224 : i32 to index
    %swap3A_226 = arith.constant 64 : index
    %swap3A_227 = tpu.vector_load %arg6[%swap3A_225, %swap3A_226] {strides = array<i32>} : memref<8x128xi32, #tpu.memory_space<vmem>>, vector<16xi32>,
    tpu.vector_store %arg6[%swap3A_225, %swap3A_226], %gather3A_223 {strides = array<i32>} : memref<8x128xi32, #tpu.memory_space<vmem>>, vector<16xi32>,
    %add3A_228 = arith.constant 52 : i32
    %add3A_229 = vector.broadcast %add3A_228 : i32 to vector<16xi32>
    %add3A_230 = arith.addi %add3A_113, %add3A_229 : vector<16xi32>
    %gather3A_231 = tpu.vector_load_idx %arg5[%add3A_230] : memref<1056xi32, #tpu.memory_space<vmem>>[vector<16xi32>], vector<16xi32>,
    %swap3A_232 = arith.constant 1 : i32
    %swap3A_233 = arith.index_cast %swap3A_232 : i32 to index
    %swap3A_234 = arith.constant 80 : index
    %swap3A_235 = tpu.vector_load %arg6[%swap3A_233, %swap3A_234] {strides = array<i32>} : memref<8x128xi32, #tpu.memory_space<vmem>>, vector<16xi32>,
    tpu.vector_store %arg6[%swap3A_233, %swap3A_234], %gather3A_231 {strides = array<i32>} : memref<8x128xi32, #tpu.memory_space<vmem>>, vector<16xi32>,
    %add3A_236 = arith.constant 56 : i32
    %add3A_237 = vector.broadcast %add3A_236 : i32 to vector<16xi32>
    %add3A_238 = arith.addi %add3A_113, %add3A_237 : vector<16xi32>
    %gather3A_239 = tpu.vector_load_idx %arg5[%add3A_238] : memref<1056xi32, #tpu.memory_space<vmem>>[vector<16xi32>], vector<16xi32>,
    %swap3A_240 = arith.constant 1 : i32
    %swap3A_241 = arith.index_cast %swap3A_240 : i32 to index
    %swap3A_242 = arith.constant 96 : index
    %swap3A_243 = tpu.vector_load %arg6[%swap3A_241, %swap3A_242] {strides = array<i32>} : memref<8x128xi32, #tpu.memory_space<vmem>>, vector<16xi32>,
    tpu.vector_store %arg6[%swap3A_241, %swap3A_242], %gather3A_239 {strides = array<i32>} : memref<8x128xi32, #tpu.memory_space<vmem>>, vector<16xi32>,
    %add3A_244 = arith.constant 60 : i32
    %add3A_245 = vector.broadcast %add3A_244 : i32 to vector<16xi32>
    %add3A_246 = arith.addi %add3A_113, %add3A_245 : vector<16xi32>
    %gather3A_247 = tpu.vector_load_idx %arg5[%add3A_246] : memref<1056xi32, #tpu.memory_space<vmem>>[vector<16xi32>], vector<16xi32>,
    %swap3A_248 = arith.constant 1 : i32
    %swap3A_249 = arith.index_cast %swap3A_248 : i32 to index
    %swap3A_250 = arith.constant 112 : index
    %swap3A_251 = tpu.vector_load %arg6[%swap3A_249, %swap3A_250] {strides = array<i32>} : memref<8x128xi32, #tpu.memory_space<vmem>>, vector<16xi32>,
    tpu.vector_store %arg6[%swap3A_249, %swap3A_250], %gather3A_247 {strides = array<i32>} : memref<8x128xi32, #tpu.memory_space<vmem>>, vector<16xi32>,
    %dma_start3A_252 = arith.constant 1 : i32
    %dma_start3A_253 = arith.constant 1 : i32
    %dma_start3A_254 = arith.constant 0 : i32
    %dma_start3A_255 = arith.constant 0 : i32
    %dma_start3A_256 = tpu.memref_slice %arg7[%dma_start3A_253, %dma_start3A_254, %dma_start3A_255] : memref<8x128x32xf32, #tpu.memory_space<vmem>> -> memref<1x128x32xf32, #tpu.memory_space<vmem>>
    %dma_start3A_257 = tpu.memref_squeeze %dma_start3A_256 : memref<1x128x32xf32, #tpu.memory_space<vmem>> -> memref<128x32xf32, #tpu.memory_space<vmem>>
    %dma_start3A_258 = arith.constant 0 : i32
    %dma_start3A_259 = tpu.memref_slice %arg6[%dma_start3A_252, %dma_start3A_258] : memref<8x128xi32, #tpu.memory_space<vmem>> -> memref<1x128xi32, #tpu.memory_space<vmem>>
    %dma_start3A_260 = tpu.memref_squeeze %dma_start3A_259 : memref<1x128xi32, #tpu.memory_space<vmem>> -> memref<128xi32, #tpu.memory_space<vmem>>
    %dma_start3A_261 = arith.constant 0 : i32
    %dma_start3A_262 = arith.constant 0 : i32
    %dma_start3A_263 = tpu.memref_slice %arg3[%dma_start3A_261, %dma_start3A_262] : memref<2048x32xf32, #tpu.memory_space<hbm>> -> memref<2048x32xf32, #tpu.memory_space<hbm>>
    tpu.enqueue_indirect_dma source(%dma_start3A_263 : memref<2048x32xf32, #tpu.memory_space<hbm>>) target(%dma_start3A_257 : memref<128x32xf32, #tpu.memory_space<vmem>>) offsets(%dma_start3A_260 : memref<128xi32, #tpu.memory_space<vmem>>) semaphore(%arg8 : memref<!tpu.dma_semaphore, #tpu.memory_space<semaphore_mem>>)
    %add3A_264 = arith.constant 64 : i32
    %add3A_265 = vector.broadcast %add3A_264 : i32 to vector<16xi32>
    %add3A_266 = arith.addi %add3A_113, %add3A_265 : vector<16xi32>
    %gather3A_267 = tpu.vector_load_idx %arg5[%add3A_266] : memref<1056xi32, #tpu.memory_space<vmem>>[vector<16xi32>], vector<16xi32>,
    %swap3A_268 = arith.constant 2 : i32
    %swap3A_269 = arith.index_cast %swap3A_268 : i32 to index
    %swap3A_270 = arith.constant 0 : index
    %swap3A_271 = tpu.vector_load %arg6[%swap3A_269, %swap3A_270] {strides = array<i32>} : memref<8x128xi32, #tpu.memory_space<vmem>>, vector<16xi32>,
    tpu.vector_store %arg6[%swap3A_269, %swap3A_270], %gather3A_267 {strides = array<i32>} : memref<8x128xi32, #tpu.memory_space<vmem>>, vector<16xi32>,
    %add3A_272 = arith.constant 68 : i32
    %add3A_273 = vector.broadcast %add3A_272 : i32 to vector<16xi32>
    %add3A_274 = arith.addi %add3A_113, %add3A_273 : vector<16xi32>
    %gather3A_275 = tpu.vector_load_idx %arg5[%add3A_274] : memref<1056xi32, #tpu.memory_space<vmem>>[vector<16xi32>], vector<16xi32>,
    %swap3A_276 = arith.constant 2 : i32
    %swap3A_277 = arith.index_cast %swap3A_276 : i32 to index
    %swap3A_278 = arith.constant 16 : index
    %swap3A_279 = tpu.vector_load %arg6[%swap3A_277, %swap3A_278] {strides = array<i32>} : memref<8x128xi32, #tpu.memory_space<vmem>>, vector<16xi32>,
    tpu.vector_store %arg6[%swap3A_277, %swap3A_278], %gather3A_275 {strides = array<i32>} : memref<8x128xi32, #tpu.memory_space<vmem>>, vector<16xi32>,
    %add3A_280 = arith.constant 72 : i32
    %add3A_281 = vector.broadcast %add3A_280 : i32 to vector<16xi32>
    %add3A_282 = arith.addi %add3A_113, %add3A_281 : vector<16xi32>
    %gather3A_283 = tpu.vector_load_idx %arg5[%add3A_282] : memref<1056xi32, #tpu.memory_space<vmem>>[vector<16xi32>], vector<16xi32>,
    %swap3A_284 = arith.constant 2 : i32
    %swap3A_285 = arith.index_cast %swap3A_284 : i32 to index
    %swap3A_286 = arith.constant 32 : index
    %swap3A_287 = tpu.vector_load %arg6[%swap3A_285, %swap3A_286] {strides = array<i32>} : memref<8x128xi32, #tpu.memory_space<vmem>>, vector<16xi32>,
    tpu.vector_store %arg6[%swap3A_285, %swap3A_286], %gather3A_283 {strides = array<i32>} : memref<8x128xi32, #tpu.memory_space<vmem>>, vector<16xi32>,
    %add3A_288 = arith.constant 76 : i32
    %add3A_289 = vector.broadcast %add3A_288 : i32 to vector<16xi32>
    %add3A_290 = arith.addi %add3A_113, %add3A_289 : vector<16xi32>
    %gather3A_291 = tpu.vector_load_idx %arg5[%add3A_290] : memref<1056xi32, #tpu.memory_space<vmem>>[vector<16xi32>], vector<16xi32>,
    %swap3A_292 = arith.constant 2 : i32
    %swap3A_293 = arith.index_cast %swap3A_292 : i32 to index
    %swap3A_294 = arith.constant 48 : index
    %swap3A_295 = tpu.vector_load %arg6[%swap3A_293, %swap3A_294] {strides = array<i32>} : memref<8x128xi32, #tpu.memory_space<vmem>>, vector<16xi32>,
    tpu.vector_store %arg6[%swap3A_293, %swap3A_294], %gather3A_291 {strides = array<i32>} : memref<8x128xi32, #tpu.memory_space<vmem>>, vector<16xi32>,
    %add3A_296 = arith.constant 80 : i32
    %add3A_297 = vector.broadcast %add3A_296 : i32 to vector<16xi32>
    %add3A_298 = arith.addi %add3A_113, %add3A_297 : vector<16xi32>
    %gather3A_299 = tpu.vector_load_idx %arg5[%add3A_298] : memref<1056xi32, #tpu.memory_space<vmem>>[vector<16xi32>], vector<16xi32>,
    %swap3A_300 = arith.constant 2 : i32
    %swap3A_301 = arith.index_cast %swap3A_300 : i32 to index
    %swap3A_302 = arith.constant 64 : index
    %swap3A_303 = tpu.vector_load %arg6[%swap3A_301, %swap3A_302] {strides = array<i32>} : memref<8x128xi32, #tpu.memory_space<vmem>>, vector<16xi32>,
    tpu.vector_store %arg6[%swap3A_301, %swap3A_302], %gather3A_299 {strides = array<i32>} : memref<8x128xi32, #tpu.memory_space<vmem>>, vector<16xi32>,
    %add3A_304 = arith.constant 84 : i32
    %add3A_305 = vector.broadcast %add3A_304 : i32 to vector<16xi32>
    %add3A_306 = arith.addi %add3A_113, %add3A_305 : vector<16xi32>
    %gather3A_307 = tpu.vector_load_idx %arg5[%add3A_306] : memref<1056xi32, #tpu.memory_space<vmem>>[vector<16xi32>], vector<16xi32>,
    %swap3A_308 = arith.constant 2 : i32
    %swap3A_309 = arith.index_cast %swap3A_308 : i32 to index
    %swap3A_310 = arith.constant 80 : index
    %swap3A_311 = tpu.vector_load %arg6[%swap3A_309, %swap3A_310] {strides = array<i32>} : memref<8x128xi32, #tpu.memory_space<vmem>>, vector<16xi32>,
    tpu.vector_store %arg6[%swap3A_309, %swap3A_310], %gather3A_307 {strides = array<i32>} : memref<8x128xi32, #tpu.memory_space<vmem>>, vector<16xi32>,
    %add3A_312 = arith.constant 88 : i32
    %add3A_313 = vector.broadcast %add3A_312 : i32 to vector<16xi32>
    %add3A_314 = arith.addi %add3A_113, %add3A_313 : vector<16xi32>
    %gather3A_315 = tpu.vector_load_idx %arg5[%add3A_314] : memref<1056xi32, #tpu.memory_space<vmem>>[vector<16xi32>], vector<16xi32>,
    %swap3A_316 = arith.constant 2 : i32
    %swap3A_317 = arith.index_cast %swap3A_316 : i32 to index
    %swap3A_318 = arith.constant 96 : index
    %swap3A_319 = tpu.vector_load %arg6[%swap3A_317, %swap3A_318] {strides = array<i32>} : memref<8x128xi32, #tpu.memory_space<vmem>>, vector<16xi32>,
    tpu.vector_store %arg6[%swap3A_317, %swap3A_318], %gather3A_315 {strides = array<i32>} : memref<8x128xi32, #tpu.memory_space<vmem>>, vector<16xi32>,
    %add3A_320 = arith.constant 92 : i32
    %add3A_321 = vector.broadcast %add3A_320 : i32 to vector<16xi32>
    %add3A_322 = arith.addi %add3A_113, %add3A_321 : vector<16xi32>
    %gather3A_323 = tpu.vector_load_idx %arg5[%add3A_322] : memref<1056xi32, #tpu.memory_space<vmem>>[vector<16xi32>], vector<16xi32>,
    %swap3A_324 = arith.constant 2 : i32
    %swap3A_325 = arith.index_cast %swap3A_324 : i32 to index
    %swap3A_326 = arith.constant 112 : index
    %swap3A_327 = tpu.vector_load %arg6[%swap3A_325, %swap3A_326] {strides = array<i32>} : memref<8x128xi32, #tpu.memory_space<vmem>>, vector<16xi32>,
    tpu.vector_store %arg6[%swap3A_325, %swap3A_326], %gather3A_323 {strides = array<i32>} : memref<8x128xi32, #tpu.memory_space<vmem>>, vector<16xi32>,
    %dma_start3A_328 = arith.constant 2 : i32
    %dma_start3A_329 = arith.constant 2 : i32
    %dma_start3A_330 = arith.constant 0 : i32
    %dma_start3A_331 = arith.constant 0 : i32
    %dma_start3A_332 = tpu.memref_slice %arg7[%dma_start3A_329, %dma_start3A_330, %dma_start3A_331] : memref<8x128x32xf32, #tpu.memory_space<vmem>> -> memref<1x128x32xf32, #tpu.memory_space<vmem>>
    %dma_start3A_333 = tpu.memref_squeeze %dma_start3A_332 : memref<1x128x32xf32, #tpu.memory_space<vmem>> -> memref<128x32xf32, #tpu.memory_space<vmem>>
    %dma_start3A_334 = arith.constant 0 : i32
    %dma_start3A_335 = tpu.memref_slice %arg6[%dma_start3A_328, %dma_start3A_334] : memref<8x128xi32, #tpu.memory_space<vmem>> -> memref<1x128xi32, #tpu.memory_space<vmem>>
    %dma_start3A_336 = tpu.memref_squeeze %dma_start3A_335 : memref<1x128xi32, #tpu.memory_space<vmem>> -> memref<128xi32, #tpu.memory_space<vmem>>
    %dma_start3A_337 = arith.constant 0 : i32
    %dma_start3A_338 = arith.constant 0 : i32
    %dma_start3A_339 = tpu.memref_slice %arg3[%dma_start3A_337, %dma_start3A_338] : memref<2048x32xf32, #tpu.memory_space<hbm>> -> memref<2048x32xf32, #tpu.memory_space<hbm>>
    tpu.enqueue_indirect_dma source(%dma_start3A_339 : memref<2048x32xf32, #tpu.memory_space<hbm>>) target(%dma_start3A_333 : memref<128x32xf32, #tpu.memory_space<vmem>>) offsets(%dma_start3A_336 : memref<128xi32, #tpu.memory_space<vmem>>) semaphore(%arg8 : memref<!tpu.dma_semaphore, #tpu.memory_space<semaphore_mem>>)
    %add3A_340 = arith.constant 96 : i32
    %add3A_341 = vector.broadcast %add3A_340 : i32 to vector<16xi32>
    %add3A_342 = arith.addi %add3A_113, %add3A_341 : vector<16xi32>
    %gather3A_343 = tpu.vector_load_idx %arg5[%add3A_342] : memref<1056xi32, #tpu.memory_space<vmem>>[vector<16xi32>], vector<16xi32>,
    %swap3A_344 = arith.constant 3 : i32
    %swap3A_345 = arith.index_cast %swap3A_344 : i32 to index
    %swap3A_346 = arith.constant 0 : index
    %swap3A_347 = tpu.vector_load %arg6[%swap3A_345, %swap3A_346] {strides = array<i32>} : memref<8x128xi32, #tpu.memory_space<vmem>>, vector<16xi32>,
    tpu.vector_store %arg6[%swap3A_345, %swap3A_346], %gather3A_343 {strides = array<i32>} : memref<8x128xi32, #tpu.memory_space<vmem>>, vector<16xi32>,
    %add3A_348 = arith.constant 100 : i32
    %add3A_349 = vector.broadcast %add3A_348 : i32 to vector<16xi32>
    %add3A_350 = arith.addi %add3A_113, %add3A_349 : vector<16xi32>
    %gather3A_351 = tpu.vector_load_idx %arg5[%add3A_350] : memref<1056xi32, #tpu.memory_space<vmem>>[vector<16xi32>], vector<16xi32>,
    %swap3A_352 = arith.constant 3 : i32
    %swap3A_353 = arith.index_cast %swap3A_352 : i32 to index
    %swap3A_354 = arith.constant 16 : index
    %swap3A_355 = tpu.vector_load %arg6[%swap3A_353, %swap3A_354] {strides = array<i32>} : memref<8x128xi32, #tpu.memory_space<vmem>>, vector<16xi32>,
    tpu.vector_store %arg6[%swap3A_353, %swap3A_354], %gather3A_351 {strides = array<i32>} : memref<8x128xi32, #tpu.memory_space<vmem>>, vector<16xi32>,
    %add3A_356 = arith.constant 104 : i32
    %add3A_357 = vector.broadcast %add3A_356 : i32 to vector<16xi32>
    %add3A_358 = arith.addi %add3A_113, %add3A_357 : vector<16xi32>
    %gather3A_359 = tpu.vector_load_idx %arg5[%add3A_358] : memref<1056xi32, #tpu.memory_space<vmem>>[vector<16xi32>], vector<16xi32>,
    %swap3A_360 = arith.constant 3 : i32
    %swap3A_361 = arith.index_cast %swap3A_360 : i32 to index
    %swap3A_362 = arith.constant 32 : index
    %swap3A_363 = tpu.vector_load %arg6[%swap3A_361, %swap3A_362] {strides = array<i32>} : memref<8x128xi32, #tpu.memory_space<vmem>>, vector<16xi32>,
    tpu.vector_store %arg6[%swap3A_361, %swap3A_362], %gather3A_359 {strides = array<i32>} : memref<8x128xi32, #tpu.memory_space<vmem>>, vector<16xi32>,
    %add3A_364 = arith.constant 108 : i32
    %add3A_365 = vector.broadcast %add3A_364 : i32 to vector<16xi32>
    %add3A_366 = arith.addi %add3A_113, %add3A_365 : vector<16xi32>
    %gather3A_367 = tpu.vector_load_idx %arg5[%add3A_366] : memref<1056xi32, #tpu.memory_space<vmem>>[vector<16xi32>], vector<16xi32>,
    %swap3A_368 = arith.constant 3 : i32
    %swap3A_369 = arith.index_cast %swap3A_368 : i32 to index
    %swap3A_370 = arith.constant 48 : index
    %swap3A_371 = tpu.vector_load %arg6[%swap3A_369, %swap3A_370] {strides = array<i32>} : memref<8x128xi32, #tpu.memory_space<vmem>>, vector<16xi32>,
    tpu.vector_store %arg6[%swap3A_369, %swap3A_370], %gather3A_367 {strides = array<i32>} : memref<8x128xi32, #tpu.memory_space<vmem>>, vector<16xi32>,
    %add3A_372 = arith.constant 112 : i32
    %add3A_373 = vector.broadcast %add3A_372 : i32 to vector<16xi32>
    %add3A_374 = arith.addi %add3A_113, %add3A_373 : vector<16xi32>
    %gather3A_375 = tpu.vector_load_idx %arg5[%add3A_374] : memref<1056xi32, #tpu.memory_space<vmem>>[vector<16xi32>], vector<16xi32>,
    %swap3A_376 = arith.constant 3 : i32
    %swap3A_377 = arith.index_cast %swap3A_376 : i32 to index
    %swap3A_378 = arith.constant 64 : index
    %swap3A_379 = tpu.vector_load %arg6[%swap3A_377, %swap3A_378] {strides = array<i32>} : memref<8x128xi32, #tpu.memory_space<vmem>>, vector<16xi32>,
    tpu.vector_store %arg6[%swap3A_377, %swap3A_378], %gather3A_375 {strides = array<i32>} : memref<8x128xi32, #tpu.memory_space<vmem>>, vector<16xi32>,
    %add3A_380 = arith.constant 116 : i32
    %add3A_381 = vector.broadcast %add3A_380 : i32 to vector<16xi32>
    %add3A_382 = arith.addi %add3A_113, %add3A_381 : vector<16xi32>
    %gather3A_383 = tpu.vector_load_idx %arg5[%add3A_382] : memref<1056xi32, #tpu.memory_space<vmem>>[vector<16xi32>], vector<16xi32>,
    %swap3A_384 = arith.constant 3 : i32
    %swap3A_385 = arith.index_cast %swap3A_384 : i32 to index
    %swap3A_386 = arith.constant 80 : index
    %swap3A_387 = tpu.vector_load %arg6[%swap3A_385, %swap3A_386] {strides = array<i32>} : memref<8x128xi32, #tpu.memory_space<vmem>>, vector<16xi32>,
    tpu.vector_store %arg6[%swap3A_385, %swap3A_386], %gather3A_383 {strides = array<i32>} : memref<8x128xi32, #tpu.memory_space<vmem>>, vector<16xi32>,
    %add3A_388 = arith.constant 120 : i32
    %add3A_389 = vector.broadcast %add3A_388 : i32 to vector<16xi32>
    %add3A_390 = arith.addi %add3A_113, %add3A_389 : vector<16xi32>
    %gather3A_391 = tpu.vector_load_idx %arg5[%add3A_390] : memref<1056xi32, #tpu.memory_space<vmem>>[vector<16xi32>], vector<16xi32>,
    %swap3A_392 = arith.constant 3 : i32
    %swap3A_393 = arith.index_cast %swap3A_392 : i32 to index
    %swap3A_394 = arith.constant 96 : index
    %swap3A_395 = tpu.vector_load %arg6[%swap3A_393, %swap3A_394] {strides = array<i32>} : memref<8x128xi32, #tpu.memory_space<vmem>>, vector<16xi32>,
    tpu.vector_store %arg6[%swap3A_393, %swap3A_394], %gather3A_391 {strides = array<i32>} : memref<8x128xi32, #tpu.memory_space<vmem>>, vector<16xi32>,
    %add3A_396 = arith.constant 124 : i32
    %add3A_397 = vector.broadcast %add3A_396 : i32 to vector<16xi32>
    %add3A_398 = arith.addi %add3A_113, %add3A_397 : vector<16xi32>
    %gather3A_399 = tpu.vector_load_idx %arg5[%add3A_398] : memref<1056xi32, #tpu.memory_space<vmem>>[vector<16xi32>], vector<16xi32>,
    %swap3A_400 = arith.constant 3 : i32
    %swap3A_401 = arith.index_cast %swap3A_400 : i32 to index
    %swap3A_402 = arith.constant 112 : index
    %swap3A_403 = tpu.vector_load %arg6[%swap3A_401, %swap3A_402] {strides = array<i32>} : memref<8x128xi32, #tpu.memory_space<vmem>>, vector<16xi32>,
    tpu.vector_store %arg6[%swap3A_401, %swap3A_402], %gather3A_399 {strides = array<i32>} : memref<8x128xi32, #tpu.memory_space<vmem>>, vector<16xi32>,
    %dma_start3A_404 = arith.constant 3 : i32
    %dma_start3A_405 = arith.constant 3 : i32
    %dma_start3A_406 = arith.constant 0 : i32
    %dma_start3A_407 = arith.constant 0 : i32
    %dma_start3A_408 = tpu.memref_slice %arg7[%dma_start3A_405, %dma_start3A_406, %dma_start3A_407] : memref<8x128x32xf32, #tpu.memory_space<vmem>> -> memref<1x128x32xf32, #tpu.memory_space<vmem>>
    %dma_start3A_409 = tpu.memref_squeeze %dma_start3A_408 : memref<1x128x32xf32, #tpu.memory_space<vmem>> -> memref<128x32xf32, #tpu.memory_space<vmem>>
    %dma_start3A_410 = arith.constant 0 : i32
    %dma_start3A_411 = tpu.memref_slice %arg6[%dma_start3A_404, %dma_start3A_410] : memref<8x128xi32, #tpu.memory_space<vmem>> -> memref<1x128xi32, #tpu.memory_space<vmem>>
    %dma_start3A_412 = tpu.memref_squeeze %dma_start3A_411 : memref<1x128xi32, #tpu.memory_space<vmem>> -> memref<128xi32, #tpu.memory_space<vmem>>
    %dma_start3A_413 = arith.constant 0 : i32
    %dma_start3A_414 = arith.constant 0 : i32
    %dma_start3A_415 = tpu.memref_slice %arg3[%dma_start3A_413, %dma_start3A_414] : memref<2048x32xf32, #tpu.memory_space<hbm>> -> memref<2048x32xf32, #tpu.memory_space<hbm>>
    tpu.enqueue_indirect_dma source(%dma_start3A_415 : memref<2048x32xf32, #tpu.memory_space<hbm>>) target(%dma_start3A_409 : memref<128x32xf32, #tpu.memory_space<vmem>>) offsets(%dma_start3A_412 : memref<128xi32, #tpu.memory_space<vmem>>) semaphore(%arg8 : memref<!tpu.dma_semaphore, #tpu.memory_space<semaphore_mem>>)
    %add3A_416 = arith.constant 128 : i32
    %add3A_417 = vector.broadcast %add3A_416 : i32 to vector<16xi32>
    %add3A_418 = arith.addi %add3A_113, %add3A_417 : vector<16xi32>
    %gather3A_419 = tpu.vector_load_idx %arg5[%add3A_418] : memref<1056xi32, #tpu.memory_space<vmem>>[vector<16xi32>], vector<16xi32>,
    %swap3A_420 = arith.constant 4 : i32
    %swap3A_421 = arith.index_cast %swap3A_420 : i32 to index
    %swap3A_422 = arith.constant 0 : index
    %swap3A_423 = tpu.vector_load %arg6[%swap3A_421, %swap3A_422] {strides = array<i32>} : memref<8x128xi32, #tpu.memory_space<vmem>>, vector<16xi32>,
    tpu.vector_store %arg6[%swap3A_421, %swap3A_422], %gather3A_419 {strides = array<i32>} : memref<8x128xi32, #tpu.memory_space<vmem>>, vector<16xi32>,
    %add3A_424 = arith.constant 132 : i32
    %add3A_425 = vector.broadcast %add3A_424 : i32 to vector<16xi32>
    %add3A_426 = arith.addi %add3A_113, %add3A_425 : vector<16xi32>
    %gather3A_427 = tpu.vector_load_idx %arg5[%add3A_426] : memref<1056xi32, #tpu.memory_space<vmem>>[vector<16xi32>], vector<16xi32>,
    %swap3A_428 = arith.constant 4 : i32
    %swap3A_429 = arith.index_cast %swap3A_428 : i32 to index
    %swap3A_430 = arith.constant 16 : index
    %swap3A_431 = tpu.vector_load %arg6[%swap3A_429, %swap3A_430] {strides = array<i32>} : memref<8x128xi32, #tpu.memory_space<vmem>>, vector<16xi32>,
    tpu.vector_store %arg6[%swap3A_429, %swap3A_430], %gather3A_427 {strides = array<i32>} : memref<8x128xi32, #tpu.memory_space<vmem>>, vector<16xi32>,
    %add3A_432 = arith.constant 136 : i32
    %add3A_433 = vector.broadcast %add3A_432 : i32 to vector<16xi32>
    %add3A_434 = arith.addi %add3A_113, %add3A_433 : vector<16xi32>
    %gather3A_435 = tpu.vector_load_idx %arg5[%add3A_434] : memref<1056xi32, #tpu.memory_space<vmem>>[vector<16xi32>], vector<16xi32>,
    %swap3A_436 = arith.constant 4 : i32
    %swap3A_437 = arith.index_cast %swap3A_436 : i32 to index
    %swap3A_438 = arith.constant 32 : index
    %swap3A_439 = tpu.vector_load %arg6[%swap3A_437, %swap3A_438] {strides = array<i32>} : memref<8x128xi32, #tpu.memory_space<vmem>>, vector<16xi32>,
    tpu.vector_store %arg6[%swap3A_437, %swap3A_438], %gather3A_435 {strides = array<i32>} : memref<8x128xi32, #tpu.memory_space<vmem>>, vector<16xi32>,
    %add3A_440 = arith.constant 140 : i32
    %add3A_441 = vector.broadcast %add3A_440 : i32 to vector<16xi32>
    %add3A_442 = arith.addi %add3A_113, %add3A_441 : vector<16xi32>
    %gather3A_443 = tpu.vector_load_idx %arg5[%add3A_442] : memref<1056xi32, #tpu.memory_space<vmem>>[vector<16xi32>], vector<16xi32>,
    %swap3A_444 = arith.constant 4 : i32
    %swap3A_445 = arith.index_cast %swap3A_444 : i32 to index
    %swap3A_446 = arith.constant 48 : index
    %swap3A_447 = tpu.vector_load %arg6[%swap3A_445, %swap3A_446] {strides = array<i32>} : memref<8x128xi32, #tpu.memory_space<vmem>>, vector<16xi32>,
    tpu.vector_store %arg6[%swap3A_445, %swap3A_446], %gather3A_443 {strides = array<i32>} : memref<8x128xi32, #tpu.memory_space<vmem>>, vector<16xi32>,
    %add3A_448 = arith.constant 144 : i32
    %add3A_449 = vector.broadcast %add3A_448 : i32 to vector<16xi32>
    %add3A_450 = arith.addi %add3A_113, %add3A_449 : vector<16xi32>
    %gather3A_451 = tpu.vector_load_idx %arg5[%add3A_450] : memref<1056xi32, #tpu.memory_space<vmem>>[vector<16xi32>], vector<16xi32>,
    %swap3A_452 = arith.constant 4 : i32
    %swap3A_453 = arith.index_cast %swap3A_452 : i32 to index
    %swap3A_454 = arith.constant 64 : index
    %swap3A_455 = tpu.vector_load %arg6[%swap3A_453, %swap3A_454] {strides = array<i32>} : memref<8x128xi32, #tpu.memory_space<vmem>>, vector<16xi32>,
    tpu.vector_store %arg6[%swap3A_453, %swap3A_454], %gather3A_451 {strides = array<i32>} : memref<8x128xi32, #tpu.memory_space<vmem>>, vector<16xi32>,
    %add3A_456 = arith.constant 148 : i32
    %add3A_457 = vector.broadcast %add3A_456 : i32 to vector<16xi32>
    %add3A_458 = arith.addi %add3A_113, %add3A_457 : vector<16xi32>
    %gather3A_459 = tpu.vector_load_idx %arg5[%add3A_458] : memref<1056xi32, #tpu.memory_space<vmem>>[vector<16xi32>], vector<16xi32>,
    %swap3A_460 = arith.constant 4 : i32
    %swap3A_461 = arith.index_cast %swap3A_460 : i32 to index
    %swap3A_462 = arith.constant 80 : index
    %swap3A_463 = tpu.vector_load %arg6[%swap3A_461, %swap3A_462] {strides = array<i32>} : memref<8x128xi32, #tpu.memory_space<vmem>>, vector<16xi32>,
    tpu.vector_store %arg6[%swap3A_461, %swap3A_462], %gather3A_459 {strides = array<i32>} : memref<8x128xi32, #tpu.memory_space<vmem>>, vector<16xi32>,
    %add3A_464 = arith.constant 152 : i32
    %add3A_465 = vector.broadcast %add3A_464 : i32 to vector<16xi32>
    %add3A_466 = arith.addi %add3A_113, %add3A_465 : vector<16xi32>
    %gather3A_467 = tpu.vector_load_idx %arg5[%add3A_466] : memref<1056xi32, #tpu.memory_space<vmem>>[vector<16xi32>], vector<16xi32>,
    %swap3A_468 = arith.constant 4 : i32
    %swap3A_469 = arith.index_cast %swap3A_468 : i32 to index
    %swap3A_470 = arith.constant 96 : index
    %swap3A_471 = tpu.vector_load %arg6[%swap3A_469, %swap3A_470] {strides = array<i32>} : memref<8x128xi32, #tpu.memory_space<vmem>>, vector<16xi32>,
    tpu.vector_store %arg6[%swap3A_469, %swap3A_470], %gather3A_467 {strides = array<i32>} : memref<8x128xi32, #tpu.memory_space<vmem>>, vector<16xi32>,
    %add3A_472 = arith.constant 156 : i32
    %add3A_473 = vector.broadcast %add3A_472 : i32 to vector<16xi32>
    %add3A_474 = arith.addi %add3A_113, %add3A_473 : vector<16xi32>
    %gather3A_475 = tpu.vector_load_idx %arg5[%add3A_474] : memref<1056xi32, #tpu.memory_space<vmem>>[vector<16xi32>], vector<16xi32>,
    %swap3A_476 = arith.constant 4 : i32
    %swap3A_477 = arith.index_cast %swap3A_476 : i32 to index
    %swap3A_478 = arith.constant 112 : index
    %swap3A_479 = tpu.vector_load %arg6[%swap3A_477, %swap3A_478] {strides = array<i32>} : memref<8x128xi32, #tpu.memory_space<vmem>>, vector<16xi32>,
    tpu.vector_store %arg6[%swap3A_477, %swap3A_478], %gather3A_475 {strides = array<i32>} : memref<8x128xi32, #tpu.memory_space<vmem>>, vector<16xi32>,
    %dma_start3A_480 = arith.constant 4 : i32
    %dma_start3A_481 = arith.constant 4 : i32
    %dma_start3A_482 = arith.constant 0 : i32
    %dma_start3A_483 = arith.constant 0 : i32
    %dma_start3A_484 = tpu.memref_slice %arg7[%dma_start3A_481, %dma_start3A_482, %dma_start3A_483] : memref<8x128x32xf32, #tpu.memory_space<vmem>> -> memref<1x128x32xf32, #tpu.memory_space<vmem>>
    %dma_start3A_485 = tpu.memref_squeeze %dma_start3A_484 : memref<1x128x32xf32, #tpu.memory_space<vmem>> -> memref<128x32xf32, #tpu.memory_space<vmem>>
    %dma_start3A_486 = arith.constant 0 : i32
    %dma_start3A_487 = tpu.memref_slice %arg6[%dma_start3A_480, %dma_start3A_486] : memref<8x128xi32, #tpu.memory_space<vmem>> -> memref<1x128xi32, #tpu.memory_space<vmem>>
    %dma_start3A_488 = tpu.memref_squeeze %dma_start3A_487 : memref<1x128xi32, #tpu.memory_space<vmem>> -> memref<128xi32, #tpu.memory_space<vmem>>
    %dma_start3A_489 = arith.constant 0 : i32
    %dma_start3A_490 = arith.constant 0 : i32
    %dma_start3A_491 = tpu.memref_slice %arg3[%dma_start3A_489, %dma_start3A_490] : memref<2048x32xf32, #tpu.memory_space<hbm>> -> memref<2048x32xf32, #tpu.memory_space<hbm>>
    tpu.enqueue_indirect_dma source(%dma_start3A_491 : memref<2048x32xf32, #tpu.memory_space<hbm>>) target(%dma_start3A_485 : memref<128x32xf32, #tpu.memory_space<vmem>>) offsets(%dma_start3A_488 : memref<128xi32, #tpu.memory_space<vmem>>) semaphore(%arg8 : memref<!tpu.dma_semaphore, #tpu.memory_space<semaphore_mem>>)
    %add3A_492 = arith.constant 160 : i32
    %add3A_493 = vector.broadcast %add3A_492 : i32 to vector<16xi32>
    %add3A_494 = arith.addi %add3A_113, %add3A_493 : vector<16xi32>
    %gather3A_495 = tpu.vector_load_idx %arg5[%add3A_494] : memref<1056xi32, #tpu.memory_space<vmem>>[vector<16xi32>], vector<16xi32>,
    %swap3A_496 = arith.constant 5 : i32
    %swap3A_497 = arith.index_cast %swap3A_496 : i32 to index
    %swap3A_498 = arith.constant 0 : index
    %swap3A_499 = tpu.vector_load %arg6[%swap3A_497, %swap3A_498] {strides = array<i32>} : memref<8x128xi32, #tpu.memory_space<vmem>>, vector<16xi32>,
    tpu.vector_store %arg6[%swap3A_497, %swap3A_498], %gather3A_495 {strides = array<i32>} : memref<8x128xi32, #tpu.memory_space<vmem>>, vector<16xi32>,
    %add3A_500 = arith.constant 164 : i32
    %add3A_501 = vector.broadcast %add3A_500 : i32 to vector<16xi32>
    %add3A_502 = arith.addi %add3A_113, %add3A_501 : vector<16xi32>
    %gather3A_503 = tpu.vector_load_idx %arg5[%add3A_502] : memref<1056xi32, #tpu.memory_space<vmem>>[vector<16xi32>], vector<16xi32>,
    %swap3A_504 = arith.constant 5 : i32
    %swap3A_505 = arith.index_cast %swap3A_504 : i32 to index
    %swap3A_506 = arith.constant 16 : index
    %swap3A_507 = tpu.vector_load %arg6[%swap3A_505, %swap3A_506] {strides = array<i32>} : memref<8x128xi32, #tpu.memory_space<vmem>>, vector<16xi32>,
    tpu.vector_store %arg6[%swap3A_505, %swap3A_506], %gather3A_503 {strides = array<i32>} : memref<8x128xi32, #tpu.memory_space<vmem>>, vector<16xi32>,
    %add3A_508 = arith.constant 168 : i32
    %add3A_509 = vector.broadcast %add3A_508 : i32 to vector<16xi32>
    %add3A_510 = arith.addi %add3A_113, %add3A_509 : vector<16xi32>
    %gather3A_511 = tpu.vector_load_idx %arg5[%add3A_510] : memref<1056xi32, #tpu.memory_space<vmem>>[vector<16xi32>], vector<16xi32>,
    %swap3A_512 = arith.constant 5 : i32
    %swap3A_513 = arith.index_cast %swap3A_512 : i32 to index
    %swap3A_514 = arith.constant 32 : index
    %swap3A_515 = tpu.vector_load %arg6[%swap3A_513, %swap3A_514] {strides = array<i32>} : memref<8x128xi32, #tpu.memory_space<vmem>>, vector<16xi32>,
    tpu.vector_store %arg6[%swap3A_513, %swap3A_514], %gather3A_511 {strides = array<i32>} : memref<8x128xi32, #tpu.memory_space<vmem>>, vector<16xi32>,
    %add3A_516 = arith.constant 172 : i32
    %add3A_517 = vector.broadcast %add3A_516 : i32 to vector<16xi32>
    %add3A_518 = arith.addi %add3A_113, %add3A_517 : vector<16xi32>
    %gather3A_519 = tpu.vector_load_idx %arg5[%add3A_518] : memref<1056xi32, #tpu.memory_space<vmem>>[vector<16xi32>], vector<16xi32>,
    %swap3A_520 = arith.constant 5 : i32
    %swap3A_521 = arith.index_cast %swap3A_520 : i32 to index
    %swap3A_522 = arith.constant 48 : index
    %swap3A_523 = tpu.vector_load %arg6[%swap3A_521, %swap3A_522] {strides = array<i32>} : memref<8x128xi32, #tpu.memory_space<vmem>>, vector<16xi32>,
    tpu.vector_store %arg6[%swap3A_521, %swap3A_522], %gather3A_519 {strides = array<i32>} : memref<8x128xi32, #tpu.memory_space<vmem>>, vector<16xi32>,
    %add3A_524 = arith.constant 176 : i32
    %add3A_525 = vector.broadcast %add3A_524 : i32 to vector<16xi32>
    %add3A_526 = arith.addi %add3A_113, %add3A_525 : vector<16xi32>
    %gather3A_527 = tpu.vector_load_idx %arg5[%add3A_526] : memref<1056xi32, #tpu.memory_space<vmem>>[vector<16xi32>], vector<16xi32>,
    %swap3A_528 = arith.constant 5 : i32
    %swap3A_529 = arith.index_cast %swap3A_528 : i32 to index
    %swap3A_530 = arith.constant 64 : index
    %swap3A_531 = tpu.vector_load %arg6[%swap3A_529, %swap3A_530] {strides = array<i32>} : memref<8x128xi32, #tpu.memory_space<vmem>>, vector<16xi32>,
    tpu.vector_store %arg6[%swap3A_529, %swap3A_530], %gather3A_527 {strides = array<i32>} : memref<8x128xi32, #tpu.memory_space<vmem>>, vector<16xi32>,
    %add3A_532 = arith.constant 180 : i32
    %add3A_533 = vector.broadcast %add3A_532 : i32 to vector<16xi32>
    %add3A_534 = arith.addi %add3A_113, %add3A_533 : vector<16xi32>
    %gather3A_535 = tpu.vector_load_idx %arg5[%add3A_534] : memref<1056xi32, #tpu.memory_space<vmem>>[vector<16xi32>], vector<16xi32>,
    %swap3A_536 = arith.constant 5 : i32
    %swap3A_537 = arith.index_cast %swap3A_536 : i32 to index
    %swap3A_538 = arith.constant 80 : index
    %swap3A_539 = tpu.vector_load %arg6[%swap3A_537, %swap3A_538] {strides = array<i32>} : memref<8x128xi32, #tpu.memory_space<vmem>>, vector<16xi32>,
    tpu.vector_store %arg6[%swap3A_537, %swap3A_538], %gather3A_535 {strides = array<i32>} : memref<8x128xi32, #tpu.memory_space<vmem>>, vector<16xi32>,
    %add3A_540 = arith.constant 184 : i32
    %add3A_541 = vector.broadcast %add3A_540 : i32 to vector<16xi32>
    %add3A_542 = arith.addi %add3A_113, %add3A_541 : vector<16xi32>
    %gather3A_543 = tpu.vector_load_idx %arg5[%add3A_542] : memref<1056xi32, #tpu.memory_space<vmem>>[vector<16xi32>], vector<16xi32>,
    %swap3A_544 = arith.constant 5 : i32
    %swap3A_545 = arith.index_cast %swap3A_544 : i32 to index
    %swap3A_546 = arith.constant 96 : index
    %swap3A_547 = tpu.vector_load %arg6[%swap3A_545, %swap3A_546] {strides = array<i32>} : memref<8x128xi32, #tpu.memory_space<vmem>>, vector<16xi32>,
    tpu.vector_store %arg6[%swap3A_545, %swap3A_546], %gather3A_543 {strides = array<i32>} : memref<8x128xi32, #tpu.memory_space<vmem>>, vector<16xi32>,
    %add3A_548 = arith.constant 188 : i32
    %add3A_549 = vector.broadcast %add3A_548 : i32 to vector<16xi32>
    %add3A_550 = arith.addi %add3A_113, %add3A_549 : vector<16xi32>
    %gather3A_551 = tpu.vector_load_idx %arg5[%add3A_550] : memref<1056xi32, #tpu.memory_space<vmem>>[vector<16xi32>], vector<16xi32>,
    %swap3A_552 = arith.constant 5 : i32
    %swap3A_553 = arith.index_cast %swap3A_552 : i32 to index
    %swap3A_554 = arith.constant 112 : index
    %swap3A_555 = tpu.vector_load %arg6[%swap3A_553, %swap3A_554] {strides = array<i32>} : memref<8x128xi32, #tpu.memory_space<vmem>>, vector<16xi32>,
    tpu.vector_store %arg6[%swap3A_553, %swap3A_554], %gather3A_551 {strides = array<i32>} : memref<8x128xi32, #tpu.memory_space<vmem>>, vector<16xi32>,
    %dma_start3A_556 = arith.constant 5 : i32
    %dma_start3A_557 = arith.constant 5 : i32
    %dma_start3A_558 = arith.constant 0 : i32
    %dma_start3A_559 = arith.constant 0 : i32
    %dma_start3A_560 = tpu.memref_slice %arg7[%dma_start3A_557, %dma_start3A_558, %dma_start3A_559] : memref<8x128x32xf32, #tpu.memory_space<vmem>> -> memref<1x128x32xf32, #tpu.memory_space<vmem>>
    %dma_start3A_561 = tpu.memref_squeeze %dma_start3A_560 : memref<1x128x32xf32, #tpu.memory_space<vmem>> -> memref<128x32xf32, #tpu.memory_space<vmem>>
    %dma_start3A_562 = arith.constant 0 : i32
    %dma_start3A_563 = tpu.memref_slice %arg6[%dma_start3A_556, %dma_start3A_562] : memref<8x128xi32, #tpu.memory_space<vmem>> -> memref<1x128xi32, #tpu.memory_space<vmem>>
    %dma_start3A_564 = tpu.memref_squeeze %dma_start3A_563 : memref<1x128xi32, #tpu.memory_space<vmem>> -> memref<128xi32, #tpu.memory_space<vmem>>
    %dma_start3A_565 = arith.constant 0 : i32
    %dma_start3A_566 = arith.constant 0 : i32
    %dma_start3A_567 = tpu.memref_slice %arg3[%dma_start3A_565, %dma_start3A_566] : memref<2048x32xf32, #tpu.memory_space<hbm>> -> memref<2048x32xf32, #tpu.memory_space<hbm>>
    tpu.enqueue_indirect_dma source(%dma_start3A_567 : memref<2048x32xf32, #tpu.memory_space<hbm>>) target(%dma_start3A_561 : memref<128x32xf32, #tpu.memory_space<vmem>>) offsets(%dma_start3A_564 : memref<128xi32, #tpu.memory_space<vmem>>) semaphore(%arg8 : memref<!tpu.dma_semaphore, #tpu.memory_space<semaphore_mem>>)
    %add3A_568 = arith.constant 192 : i32
    %add3A_569 = vector.broadcast %add3A_568 : i32 to vector<16xi32>
    %add3A_570 = arith.addi %add3A_113, %add3A_569 : vector<16xi32>
    %gather3A_571 = tpu.vector_load_idx %arg5[%add3A_570] : memref<1056xi32, #tpu.memory_space<vmem>>[vector<16xi32>], vector<16xi32>,
    %swap3A_572 = arith.constant 6 : i32
    %swap3A_573 = arith.index_cast %swap3A_572 : i32 to index
    %swap3A_574 = arith.constant 0 : index
    %swap3A_575 = tpu.vector_load %arg6[%swap3A_573, %swap3A_574] {strides = array<i32>} : memref<8x128xi32, #tpu.memory_space<vmem>>, vector<16xi32>,
    tpu.vector_store %arg6[%swap3A_573, %swap3A_574], %gather3A_571 {strides = array<i32>} : memref<8x128xi32, #tpu.memory_space<vmem>>, vector<16xi32>,
    %add3A_576 = arith.constant 196 : i32
    %add3A_577 = vector.broadcast %add3A_576 : i32 to vector<16xi32>
    %add3A_578 = arith.addi %add3A_113, %add3A_577 : vector<16xi32>
    %gather3A_579 = tpu.vector_load_idx %arg5[%add3A_578] : memref<1056xi32, #tpu.memory_space<vmem>>[vector<16xi32>], vector<16xi32>,
    %swap3A_580 = arith.constant 6 : i32
    %swap3A_581 = arith.index_cast %swap3A_580 : i32 to index
    %swap3A_582 = arith.constant 16 : index
    %swap3A_583 = tpu.vector_load %arg6[%swap3A_581, %swap3A_582] {strides = array<i32>} : memref<8x128xi32, #tpu.memory_space<vmem>>, vector<16xi32>,
    tpu.vector_store %arg6[%swap3A_581, %swap3A_582], %gather3A_579 {strides = array<i32>} : memref<8x128xi32, #tpu.memory_space<vmem>>, vector<16xi32>,
    %add3A_584 = arith.constant 200 : i32
    %add3A_585 = vector.broadcast %add3A_584 : i32 to vector<16xi32>
    %add3A_586 = arith.addi %add3A_113, %add3A_585 : vector<16xi32>
    %gather3A_587 = tpu.vector_load_idx %arg5[%add3A_586] : memref<1056xi32, #tpu.memory_space<vmem>>[vector<16xi32>], vector<16xi32>,
    %swap3A_588 = arith.constant 6 : i32
    %swap3A_589 = arith.index_cast %swap3A_588 : i32 to index
    %swap3A_590 = arith.constant 32 : index
    %swap3A_591 = tpu.vector_load %arg6[%swap3A_589, %swap3A_590] {strides = array<i32>} : memref<8x128xi32, #tpu.memory_space<vmem>>, vector<16xi32>,
    tpu.vector_store %arg6[%swap3A_589, %swap3A_590], %gather3A_587 {strides = array<i32>} : memref<8x128xi32, #tpu.memory_space<vmem>>, vector<16xi32>,
    %add3A_592 = arith.constant 204 : i32
    %add3A_593 = vector.broadcast %add3A_592 : i32 to vector<16xi32>
    %add3A_594 = arith.addi %add3A_113, %add3A_593 : vector<16xi32>
    %gather3A_595 = tpu.vector_load_idx %arg5[%add3A_594] : memref<1056xi32, #tpu.memory_space<vmem>>[vector<16xi32>], vector<16xi32>,
    %swap3A_596 = arith.constant 6 : i32
    %swap3A_597 = arith.index_cast %swap3A_596 : i32 to index
    %swap3A_598 = arith.constant 48 : index
    %swap3A_599 = tpu.vector_load %arg6[%swap3A_597, %swap3A_598] {strides = array<i32>} : memref<8x128xi32, #tpu.memory_space<vmem>>, vector<16xi32>,
    tpu.vector_store %arg6[%swap3A_597, %swap3A_598], %gather3A_595 {strides = array<i32>} : memref<8x128xi32, #tpu.memory_space<vmem>>, vector<16xi32>,
    %add3A_600 = arith.constant 208 : i32
    %add3A_601 = vector.broadcast %add3A_600 : i32 to vector<16xi32>
    %add3A_602 = arith.addi %add3A_113, %add3A_601 : vector<16xi32>
    %gather3A_603 = tpu.vector_load_idx %arg5[%add3A_602] : memref<1056xi32, #tpu.memory_space<vmem>>[vector<16xi32>], vector<16xi32>,
    %swap3A_604 = arith.constant 6 : i32
    %swap3A_605 = arith.index_cast %swap3A_604 : i32 to index
    %swap3A_606 = arith.constant 64 : index
    %swap3A_607 = tpu.vector_load %arg6[%swap3A_605, %swap3A_606] {strides = array<i32>} : memref<8x128xi32, #tpu.memory_space<vmem>>, vector<16xi32>,
    tpu.vector_store %arg6[%swap3A_605, %swap3A_606], %gather3A_603 {strides = array<i32>} : memref<8x128xi32, #tpu.memory_space<vmem>>, vector<16xi32>,
    %add3A_608 = arith.constant 212 : i32
    %add3A_609 = vector.broadcast %add3A_608 : i32 to vector<16xi32>
    %add3A_610 = arith.addi %add3A_113, %add3A_609 : vector<16xi32>
    %gather3A_611 = tpu.vector_load_idx %arg5[%add3A_610] : memref<1056xi32, #tpu.memory_space<vmem>>[vector<16xi32>], vector<16xi32>,
    %swap3A_612 = arith.constant 6 : i32
    %swap3A_613 = arith.index_cast %swap3A_612 : i32 to index
    %swap3A_614 = arith.constant 80 : index
    %swap3A_615 = tpu.vector_load %arg6[%swap3A_613, %swap3A_614] {strides = array<i32>} : memref<8x128xi32, #tpu.memory_space<vmem>>, vector<16xi32>,
    tpu.vector_store %arg6[%swap3A_613, %swap3A_614], %gather3A_611 {strides = array<i32>} : memref<8x128xi32, #tpu.memory_space<vmem>>, vector<16xi32>,
    %add3A_616 = arith.constant 216 : i32
    %add3A_617 = vector.broadcast %add3A_616 : i32 to vector<16xi32>
    %add3A_618 = arith.addi %add3A_113, %add3A_617 : vector<16xi32>
    %gather3A_619 = tpu.vector_load_idx %arg5[%add3A_618] : memref<1056xi32, #tpu.memory_space<vmem>>[vector<16xi32>], vector<16xi32>,
    %swap3A_620 = arith.constant 6 : i32
    %swap3A_621 = arith.index_cast %swap3A_620 : i32 to index
    %swap3A_622 = arith.constant 96 : index
    %swap3A_623 = tpu.vector_load %arg6[%swap3A_621, %swap3A_622] {strides = array<i32>} : memref<8x128xi32, #tpu.memory_space<vmem>>, vector<16xi32>,
    tpu.vector_store %arg6[%swap3A_621, %swap3A_622], %gather3A_619 {strides = array<i32>} : memref<8x128xi32, #tpu.memory_space<vmem>>, vector<16xi32>,
    %add3A_624 = arith.constant 220 : i32
    %add3A_625 = vector.broadcast %add3A_624 : i32 to vector<16xi32>
    %add3A_626 = arith.addi %add3A_113, %add3A_625 : vector<16xi32>
    %gather3A_627 = tpu.vector_load_idx %arg5[%add3A_626] : memref<1056xi32, #tpu.memory_space<vmem>>[vector<16xi32>], vector<16xi32>,
    %swap3A_628 = arith.constant 6 : i32
    %swap3A_629 = arith.index_cast %swap3A_628 : i32 to index
    %swap3A_630 = arith.constant 112 : index
    %swap3A_631 = tpu.vector_load %arg6[%swap3A_629, %swap3A_630] {strides = array<i32>} : memref<8x128xi32, #tpu.memory_space<vmem>>, vector<16xi32>,
    tpu.vector_store %arg6[%swap3A_629, %swap3A_630], %gather3A_627 {strides = array<i32>} : memref<8x128xi32, #tpu.memory_space<vmem>>, vector<16xi32>,
    %dma_start3A_632 = arith.constant 6 : i32
    %dma_start3A_633 = arith.constant 6 : i32
    %dma_start3A_634 = arith.constant 0 : i32
    %dma_start3A_635 = arith.constant 0 : i32
    %dma_start3A_636 = tpu.memref_slice %arg7[%dma_start3A_633, %dma_start3A_634, %dma_start3A_635] : memref<8x128x32xf32, #tpu.memory_space<vmem>> -> memref<1x128x32xf32, #tpu.memory_space<vmem>>
    %dma_start3A_637 = tpu.memref_squeeze %dma_start3A_636 : memref<1x128x32xf32, #tpu.memory_space<vmem>> -> memref<128x32xf32, #tpu.memory_space<vmem>>
    %dma_start3A_638 = arith.constant 0 : i32
    %dma_start3A_639 = tpu.memref_slice %arg6[%dma_start3A_632, %dma_start3A_638] : memref<8x128xi32, #tpu.memory_space<vmem>> -> memref<1x128xi32, #tpu.memory_space<vmem>>
    %dma_start3A_640 = tpu.memref_squeeze %dma_start3A_639 : memref<1x128xi32, #tpu.memory_space<vmem>> -> memref<128xi32, #tpu.memory_space<vmem>>
    %dma_start3A_641 = arith.constant 0 : i32
    %dma_start3A_642 = arith.constant 0 : i32
    %dma_start3A_643 = tpu.memref_slice %arg3[%dma_start3A_641, %dma_start3A_642] : memref<2048x32xf32, #tpu.memory_space<hbm>> -> memref<2048x32xf32, #tpu.memory_space<hbm>>
    tpu.enqueue_indirect_dma source(%dma_start3A_643 : memref<2048x32xf32, #tpu.memory_space<hbm>>) target(%dma_start3A_637 : memref<128x32xf32, #tpu.memory_space<vmem>>) offsets(%dma_start3A_640 : memref<128xi32, #tpu.memory_space<vmem>>) semaphore(%arg8 : memref<!tpu.dma_semaphore, #tpu.memory_space<semaphore_mem>>)
    %add3A_644 = arith.constant 224 : i32
    %add3A_645 = vector.broadcast %add3A_644 : i32 to vector<16xi32>
    %add3A_646 = arith.addi %add3A_113, %add3A_645 : vector<16xi32>
    %gather3A_647 = tpu.vector_load_idx %arg5[%add3A_646] : memref<1056xi32, #tpu.memory_space<vmem>>[vector<16xi32>], vector<16xi32>,
    %swap3A_648 = arith.constant 7 : i32
    %swap3A_649 = arith.index_cast %swap3A_648 : i32 to index
    %swap3A_650 = arith.constant 0 : index
    %swap3A_651 = tpu.vector_load %arg6[%swap3A_649, %swap3A_650] {strides = array<i32>} : memref<8x128xi32, #tpu.memory_space<vmem>>, vector<16xi32>,
    tpu.vector_store %arg6[%swap3A_649, %swap3A_650], %gather3A_647 {strides = array<i32>} : memref<8x128xi32, #tpu.memory_space<vmem>>, vector<16xi32>,
    %add3A_652 = arith.constant 228 : i32
    %add3A_653 = vector.broadcast %add3A_652 : i32 to vector<16xi32>
    %add3A_654 = arith.addi %add3A_113, %add3A_653 : vector<16xi32>
    %gather3A_655 = tpu.vector_load_idx %arg5[%add3A_654] : memref<1056xi32, #tpu.memory_space<vmem>>[vector<16xi32>], vector<16xi32>,
    %swap3A_656 = arith.constant 7 : i32
    %swap3A_657 = arith.index_cast %swap3A_656 : i32 to index
    %swap3A_658 = arith.constant 16 : index
    %swap3A_659 = tpu.vector_load %arg6[%swap3A_657, %swap3A_658] {strides = array<i32>} : memref<8x128xi32, #tpu.memory_space<vmem>>, vector<16xi32>,
    tpu.vector_store %arg6[%swap3A_657, %swap3A_658], %gather3A_655 {strides = array<i32>} : memref<8x128xi32, #tpu.memory_space<vmem>>, vector<16xi32>,
    %add3A_660 = arith.constant 232 : i32
    %add3A_661 = vector.broadcast %add3A_660 : i32 to vector<16xi32>
    %add3A_662 = arith.addi %add3A_113, %add3A_661 : vector<16xi32>
    %gather3A_663 = tpu.vector_load_idx %arg5[%add3A_662] : memref<1056xi32, #tpu.memory_space<vmem>>[vector<16xi32>], vector<16xi32>,
    %swap3A_664 = arith.constant 7 : i32
    %swap3A_665 = arith.index_cast %swap3A_664 : i32 to index
    %swap3A_666 = arith.constant 32 : index
    %swap3A_667 = tpu.vector_load %arg6[%swap3A_665, %swap3A_666] {strides = array<i32>} : memref<8x128xi32, #tpu.memory_space<vmem>>, vector<16xi32>,
    tpu.vector_store %arg6[%swap3A_665, %swap3A_666], %gather3A_663 {strides = array<i32>} : memref<8x128xi32, #tpu.memory_space<vmem>>, vector<16xi32>,
    %add3A_668 = arith.constant 236 : i32
    %add3A_669 = vector.broadcast %add3A_668 : i32 to vector<16xi32>
    %add3A_670 = arith.addi %add3A_113, %add3A_669 : vector<16xi32>
    %gather3A_671 = tpu.vector_load_idx %arg5[%add3A_670] : memref<1056xi32, #tpu.memory_space<vmem>>[vector<16xi32>], vector<16xi32>,
    %swap3A_672 = arith.constant 7 : i32
    %swap3A_673 = arith.index_cast %swap3A_672 : i32 to index
    %swap3A_674 = arith.constant 48 : index
    %swap3A_675 = tpu.vector_load %arg6[%swap3A_673, %swap3A_674] {strides = array<i32>} : memref<8x128xi32, #tpu.memory_space<vmem>>, vector<16xi32>,
    tpu.vector_store %arg6[%swap3A_673, %swap3A_674], %gather3A_671 {strides = array<i32>} : memref<8x128xi32, #tpu.memory_space<vmem>>, vector<16xi32>,
    %add3A_676 = arith.constant 240 : i32
    %add3A_677 = vector.broadcast %add3A_676 : i32 to vector<16xi32>
    %add3A_678 = arith.addi %add3A_113, %add3A_677 : vector<16xi32>
    %gather3A_679 = tpu.vector_load_idx %arg5[%add3A_678] : memref<1056xi32, #tpu.memory_space<vmem>>[vector<16xi32>], vector<16xi32>,
    %swap3A_680 = arith.constant 7 : i32
    %swap3A_681 = arith.index_cast %swap3A_680 : i32 to index
    %swap3A_682 = arith.constant 64 : index
    %swap3A_683 = tpu.vector_load %arg6[%swap3A_681, %swap3A_682] {strides = array<i32>} : memref<8x128xi32, #tpu.memory_space<vmem>>, vector<16xi32>,
    tpu.vector_store %arg6[%swap3A_681, %swap3A_682], %gather3A_679 {strides = array<i32>} : memref<8x128xi32, #tpu.memory_space<vmem>>, vector<16xi32>,
    %add3A_684 = arith.constant 244 : i32
    %add3A_685 = vector.broadcast %add3A_684 : i32 to vector<16xi32>
    %add3A_686 = arith.addi %add3A_113, %add3A_685 : vector<16xi32>
    %gather3A_687 = tpu.vector_load_idx %arg5[%add3A_686] : memref<1056xi32, #tpu.memory_space<vmem>>[vector<16xi32>], vector<16xi32>,
    %swap3A_688 = arith.constant 7 : i32
    %swap3A_689 = arith.index_cast %swap3A_688 : i32 to index
    %swap3A_690 = arith.constant 80 : index
    %swap3A_691 = tpu.vector_load %arg6[%swap3A_689, %swap3A_690] {strides = array<i32>} : memref<8x128xi32, #tpu.memory_space<vmem>>, vector<16xi32>,
    tpu.vector_store %arg6[%swap3A_689, %swap3A_690], %gather3A_687 {strides = array<i32>} : memref<8x128xi32, #tpu.memory_space<vmem>>, vector<16xi32>,
    %add3A_692 = arith.constant 248 : i32
    %add3A_693 = vector.broadcast %add3A_692 : i32 to vector<16xi32>
    %add3A_694 = arith.addi %add3A_113, %add3A_693 : vector<16xi32>
    %gather3A_695 = tpu.vector_load_idx %arg5[%add3A_694] : memref<1056xi32, #tpu.memory_space<vmem>>[vector<16xi32>], vector<16xi32>,
    %swap3A_696 = arith.constant 7 : i32
    %swap3A_697 = arith.index_cast %swap3A_696 : i32 to index
    %swap3A_698 = arith.constant 96 : index
    %swap3A_699 = tpu.vector_load %arg6[%swap3A_697, %swap3A_698] {strides = array<i32>} : memref<8x128xi32, #tpu.memory_space<vmem>>, vector<16xi32>,
    tpu.vector_store %arg6[%swap3A_697, %swap3A_698], %gather3A_695 {strides = array<i32>} : memref<8x128xi32, #tpu.memory_space<vmem>>, vector<16xi32>,
    %add3A_700 = arith.constant 252 : i32
    %add3A_701 = vector.broadcast %add3A_700 : i32 to vector<16xi32>
    %add3A_702 = arith.addi %add3A_113, %add3A_701 : vector<16xi32>
    %gather3A_703 = tpu.vector_load_idx %arg5[%add3A_702] : memref<1056xi32, #tpu.memory_space<vmem>>[vector<16xi32>], vector<16xi32>,
    %swap3A_704 = arith.constant 7 : i32
    %swap3A_705 = arith.index_cast %swap3A_704 : i32 to index
    %swap3A_706 = arith.constant 112 : index
    %swap3A_707 = tpu.vector_load %arg6[%swap3A_705, %swap3A_706] {strides = array<i32>} : memref<8x128xi32, #tpu.memory_space<vmem>>, vector<16xi32>,
    tpu.vector_store %arg6[%swap3A_705, %swap3A_706], %gather3A_703 {strides = array<i32>} : memref<8x128xi32, #tpu.memory_space<vmem>>, vector<16xi32>,
    %dma_start3A_708 = arith.constant 7 : i32
    %dma_start3A_709 = arith.constant 7 : i32
    %dma_start3A_710 = arith.constant 0 : i32
    %dma_start3A_711 = arith.constant 0 : i32
    %dma_start3A_712 = tpu.memref_slice %arg7[%dma_start3A_709, %dma_start3A_710, %dma_start3A_711] : memref<8x128x32xf32, #tpu.memory_space<vmem>> -> memref<1x128x32xf32, #tpu.memory_space<vmem>>
    %dma_start3A_713 = tpu.memref_squeeze %dma_start3A_712 : memref<1x128x32xf32, #tpu.memory_space<vmem>> -> memref<128x32xf32, #tpu.memory_space<vmem>>
    %dma_start3A_714 = arith.constant 0 : i32
    %dma_start3A_715 = tpu.memref_slice %arg6[%dma_start3A_708, %dma_start3A_714] : memref<8x128xi32, #tpu.memory_space<vmem>> -> memref<1x128xi32, #tpu.memory_space<vmem>>
    %dma_start3A_716 = tpu.memref_squeeze %dma_start3A_715 : memref<1x128xi32, #tpu.memory_space<vmem>> -> memref<128xi32, #tpu.memory_space<vmem>>
    %dma_start3A_717 = arith.constant 0 : i32
    %dma_start3A_718 = arith.constant 0 : i32
    %dma_start3A_719 = tpu.memref_slice %arg3[%dma_start3A_717, %dma_start3A_718] : memref<2048x32xf32, #tpu.memory_space<hbm>> -> memref<2048x32xf32, #tpu.memory_space<hbm>>
    tpu.enqueue_indirect_dma source(%dma_start3A_719 : memref<2048x32xf32, #tpu.memory_space<hbm>>) target(%dma_start3A_713 : memref<128x32xf32, #tpu.memory_space<vmem>>) offsets(%dma_start3A_716 : memref<128xi32, #tpu.memory_space<vmem>>) semaphore(%arg8 : memref<!tpu.dma_semaphore, #tpu.memory_space<semaphore_mem>>)
    %dma_wait3A_720 = arith.constant 0 : i32
    %dma_wait3A_721 = arith.constant 0 : i32
    %dma_wait3A_722 = arith.constant 0 : i32
    %dma_wait3A_723 = arith.constant 0 : i32
    %dma_wait3A_724 = tpu.memref_slice %arg7[%dma_wait3A_721, %dma_wait3A_722, %dma_wait3A_723] : memref<8x128x32xf32, #tpu.memory_space<vmem>> -> memref<1x128x32xf32, #tpu.memory_space<vmem>>
    %dma_wait3A_725 = tpu.memref_squeeze %dma_wait3A_724 : memref<1x128x32xf32, #tpu.memory_space<vmem>> -> memref<128x32xf32, #tpu.memory_space<vmem>>
    %dma_wait3A_726 = arith.constant 0 : i32
    %dma_wait3A_727 = tpu.memref_slice %arg6[%dma_wait3A_720, %dma_wait3A_726] : memref<8x128xi32, #tpu.memory_space<vmem>> -> memref<1x128xi32, #tpu.memory_space<vmem>>
    %dma_wait3A_728 = tpu.memref_squeeze %dma_wait3A_727 : memref<1x128xi32, #tpu.memory_space<vmem>> -> memref<128xi32, #tpu.memory_space<vmem>>
    %dma_wait3A_729 = arith.constant 0 : i32
    %dma_wait3A_730 = arith.constant 0 : i32
    %dma_wait3A_731 = tpu.memref_slice %arg3[%dma_wait3A_729, %dma_wait3A_730] : memref<2048x32xf32, #tpu.memory_space<hbm>> -> memref<2048x32xf32, #tpu.memory_space<hbm>>
    tpu.wait_indirect_dma semaphore(%arg8 : memref<!tpu.dma_semaphore, #tpu.memory_space<semaphore_mem>>) src(%dma_wait3A_731 : memref<2048x32xf32, #tpu.memory_space<hbm>>) dst(%dma_wait3A_725 : memref<128x32xf32, #tpu.memory_space<vmem>>)
    %add3A_732 = arith.constant 0 : i32
    %add3A_733 = arith.addi %mul3A_2, %add3A_732 : i32
    %dma_start3A_734 = arith.constant 0 : i32
    %dma_start3A_735 = arith.constant 0 : i32
    %dma_start3A_736 = arith.constant 0 : i32
    %dma_start3A_737 = tpu.memref_slice %arg7[%dma_start3A_734, %dma_start3A_735, %dma_start3A_736] : memref<8x128x32xf32, #tpu.memory_space<vmem>> -> memref<1x128x32xf32, #tpu.memory_space<vmem>>
    %dma_start3A_738 = tpu.memref_squeeze %dma_start3A_737 : memref<1x128x32xf32, #tpu.memory_space<vmem>> -> memref<128x32xf32, #tpu.memory_space<vmem>>
    %dma_start3A_739 = arith.constant 0 : i32
    %dma_start3A_740 = tpu.memref_slice %arg4[%add3A_733, %dma_start3A_739] : memref<32768x32xf32, #tpu.memory_space<hbm>> -> memref<128x32xf32, #tpu.memory_space<hbm>>
    %dma_start3A_741 = arith.constant 0 : i32
    %dma_start3A_742 = tpu.memref_slice %arg4[%add3A_733, %dma_start3A_741] : memref<32768x32xf32, #tpu.memory_space<hbm>> -> memref<128x32xf32, #tpu.memory_space<hbm>>
    %dma_start3A_743 = arith.constant 0 : i32
    %dma_start3A_744 = arith.constant 0 : i32
    %dma_start3A_745 = tpu.memref_slice %arg7[%dma_start3A_734, %dma_start3A_743, %dma_start3A_744] : memref<8x128x32xf32, #tpu.memory_space<vmem>> -> memref<1x128x32xf32, #tpu.memory_space<vmem>>
    %dma_start3A_746 = tpu.memref_squeeze %dma_start3A_745 : memref<1x128x32xf32, #tpu.memory_space<vmem>> -> memref<128x32xf32, #tpu.memory_space<vmem>>
    tpu.enqueue_dma source(%dma_start3A_746 : memref<128x32xf32, #tpu.memory_space<vmem>>) target(%dma_start3A_742 : memref<128x32xf32, #tpu.memory_space<hbm>>) target_semaphore(%arg9 : memref<!tpu.dma_semaphore, #tpu.memory_space<semaphore_mem>>)
    %dma_wait3A_747 = arith.constant 1 : i32
    %dma_wait3A_748 = arith.constant 1 : i32
    %dma_wait3A_749 = arith.constant 0 : i32
    %dma_wait3A_750 = arith.constant 0 : i32
    %dma_wait3A_751 = tpu.memref_slice %arg7[%dma_wait3A_748, %dma_wait3A_749, %dma_wait3A_750] : memref<8x128x32xf32, #tpu.memory_space<vmem>> -> memref<1x128x32xf32, #tpu.memory_space<vmem>>
    %dma_wait3A_752 = tpu.memref_squeeze %dma_wait3A_751 : memref<1x128x32xf32, #tpu.memory_space<vmem>> -> memref<128x32xf32, #tpu.memory_space<vmem>>
    %dma_wait3A_753 = arith.constant 0 : i32
    %dma_wait3A_754 = tpu.memref_slice %arg6[%dma_wait3A_747, %dma_wait3A_753] : memref<8x128xi32, #tpu.memory_space<vmem>> -> memref<1x128xi32, #tpu.memory_space<vmem>>
    %dma_wait3A_755 = tpu.memref_squeeze %dma_wait3A_754 : memref<1x128xi32, #tpu.memory_space<vmem>> -> memref<128xi32, #tpu.memory_space<vmem>>
    %dma_wait3A_756 = arith.constant 0 : i32
    %dma_wait3A_757 = arith.constant 0 : i32
    %dma_wait3A_758 = tpu.memref_slice %arg3[%dma_wait3A_756, %dma_wait3A_757] : memref<2048x32xf32, #tpu.memory_space<hbm>> -> memref<2048x32xf32, #tpu.memory_space<hbm>>
    tpu.wait_indirect_dma semaphore(%arg8 : memref<!tpu.dma_semaphore, #tpu.memory_space<semaphore_mem>>) src(%dma_wait3A_758 : memref<2048x32xf32, #tpu.memory_space<hbm>>) dst(%dma_wait3A_752 : memref<128x32xf32, #tpu.memory_space<vmem>>)
    %add3A_759 = arith.constant 128 : i32
    %add3A_760 = arith.addi %mul3A_2, %add3A_759 : i32
    %dma_start3A_761 = arith.constant 1 : i32
    %dma_start3A_762 = arith.constant 0 : i32
    %dma_start3A_763 = arith.constant 0 : i32
    %dma_start3A_764 = tpu.memref_slice %arg7[%dma_start3A_761, %dma_start3A_762, %dma_start3A_763] : memref<8x128x32xf32, #tpu.memory_space<vmem>> -> memref<1x128x32xf32, #tpu.memory_space<vmem>>
    %dma_start3A_765 = tpu.memref_squeeze %dma_start3A_764 : memref<1x128x32xf32, #tpu.memory_space<vmem>> -> memref<128x32xf32, #tpu.memory_space<vmem>>
    %dma_start3A_766 = arith.constant 0 : i32
    %dma_start3A_767 = tpu.memref_slice %arg4[%add3A_760, %dma_start3A_766] : memref<32768x32xf32, #tpu.memory_space<hbm>> -> memref<128x32xf32, #tpu.memory_space<hbm>>
    %dma_start3A_768 = arith.constant 0 : i32
    %dma_start3A_769 = tpu.memref_slice %arg4[%add3A_760, %dma_start3A_768] : memref<32768x32xf32, #tpu.memory_space<hbm>> -> memref<128x32xf32, #tpu.memory_space<hbm>>
    %dma_start3A_770 = arith.constant 0 : i32
    %dma_start3A_771 = arith.constant 0 : i32
    %dma_start3A_772 = tpu.memref_slice %arg7[%dma_start3A_761, %dma_start3A_770, %dma_start3A_771] : memref<8x128x32xf32, #tpu.memory_space<vmem>> -> memref<1x128x32xf32, #tpu.memory_space<vmem>>
    %dma_start3A_773 = tpu.memref_squeeze %dma_start3A_772 : memref<1x128x32xf32, #tpu.memory_space<vmem>> -> memref<128x32xf32, #tpu.memory_space<vmem>>
    tpu.enqueue_dma source(%dma_start3A_773 : memref<128x32xf32, #tpu.memory_space<vmem>>) target(%dma_start3A_769 : memref<128x32xf32, #tpu.memory_space<hbm>>) target_semaphore(%arg9 : memref<!tpu.dma_semaphore, #tpu.memory_space<semaphore_mem>>)
    %dma_wait3A_774 = arith.constant 2 : i32
    %dma_wait3A_775 = arith.constant 2 : i32
    %dma_wait3A_776 = arith.constant 0 : i32
    %dma_wait3A_777 = arith.constant 0 : i32
    %dma_wait3A_778 = tpu.memref_slice %arg7[%dma_wait3A_775, %dma_wait3A_776, %dma_wait3A_777] : memref<8x128x32xf32, #tpu.memory_space<vmem>> -> memref<1x128x32xf32, #tpu.memory_space<vmem>>
    %dma_wait3A_779 = tpu.memref_squeeze %dma_wait3A_778 : memref<1x128x32xf32, #tpu.memory_space<vmem>> -> memref<128x32xf32, #tpu.memory_space<vmem>>
    %dma_wait3A_780 = arith.constant 0 : i32
    %dma_wait3A_781 = tpu.memref_slice %arg6[%dma_wait3A_774, %dma_wait3A_780] : memref<8x128xi32, #tpu.memory_space<vmem>> -> memref<1x128xi32, #tpu.memory_space<vmem>>
    %dma_wait3A_782 = tpu.memref_squeeze %dma_wait3A_781 : memref<1x128xi32, #tpu.memory_space<vmem>> -> memref<128xi32, #tpu.memory_space<vmem>>
    %dma_wait3A_783 = arith.constant 0 : i32
    %dma_wait3A_784 = arith.constant 0 : i32
    %dma_wait3A_785 = tpu.memref_slice %arg3[%dma_wait3A_783, %dma_wait3A_784] : memref<2048x32xf32, #tpu.memory_space<hbm>> -> memref<2048x32xf32, #tpu.memory_space<hbm>>
    tpu.wait_indirect_dma semaphore(%arg8 : memref<!tpu.dma_semaphore, #tpu.memory_space<semaphore_mem>>) src(%dma_wait3A_785 : memref<2048x32xf32, #tpu.memory_space<hbm>>) dst(%dma_wait3A_779 : memref<128x32xf32, #tpu.memory_space<vmem>>)
    %add3A_786 = arith.constant 256 : i32
    %add3A_787 = arith.addi %mul3A_2, %add3A_786 : i32
    %dma_start3A_788 = arith.constant 2 : i32
    %dma_start3A_789 = arith.constant 0 : i32
    %dma_start3A_790 = arith.constant 0 : i32
    %dma_start3A_791 = tpu.memref_slice %arg7[%dma_start3A_788, %dma_start3A_789, %dma_start3A_790] : memref<8x128x32xf32, #tpu.memory_space<vmem>> -> memref<1x128x32xf32, #tpu.memory_space<vmem>>
    %dma_start3A_792 = tpu.memref_squeeze %dma_start3A_791 : memref<1x128x32xf32, #tpu.memory_space<vmem>> -> memref<128x32xf32, #tpu.memory_space<vmem>>
    %dma_start3A_793 = arith.constant 0 : i32
    %dma_start3A_794 = tpu.memref_slice %arg4[%add3A_787, %dma_start3A_793] : memref<32768x32xf32, #tpu.memory_space<hbm>> -> memref<128x32xf32, #tpu.memory_space<hbm>>
    %dma_start3A_795 = arith.constant 0 : i32
    %dma_start3A_796 = tpu.memref_slice %arg4[%add3A_787, %dma_start3A_795] : memref<32768x32xf32, #tpu.memory_space<hbm>> -> memref<128x32xf32, #tpu.memory_space<hbm>>
    %dma_start3A_797 = arith.constant 0 : i32
    %dma_start3A_798 = arith.constant 0 : i32
    %dma_start3A_799 = tpu.memref_slice %arg7[%dma_start3A_788, %dma_start3A_797, %dma_start3A_798] : memref<8x128x32xf32, #tpu.memory_space<vmem>> -> memref<1x128x32xf32, #tpu.memory_space<vmem>>
    %dma_start3A_800 = tpu.memref_squeeze %dma_start3A_799 : memref<1x128x32xf32, #tpu.memory_space<vmem>> -> memref<128x32xf32, #tpu.memory_space<vmem>>
    tpu.enqueue_dma source(%dma_start3A_800 : memref<128x32xf32, #tpu.memory_space<vmem>>) target(%dma_start3A_796 : memref<128x32xf32, #tpu.memory_space<hbm>>) target_semaphore(%arg9 : memref<!tpu.dma_semaphore, #tpu.memory_space<semaphore_mem>>)
    %dma_wait3A_801 = arith.constant 3 : i32
    %dma_wait3A_802 = arith.constant 3 : i32
    %dma_wait3A_803 = arith.constant 0 : i32
    %dma_wait3A_804 = arith.constant 0 : i32
    %dma_wait3A_805 = tpu.memref_slice %arg7[%dma_wait3A_802, %dma_wait3A_803, %dma_wait3A_804] : memref<8x128x32xf32, #tpu.memory_space<vmem>> -> memref<1x128x32xf32, #tpu.memory_space<vmem>>
    %dma_wait3A_806 = tpu.memref_squeeze %dma_wait3A_805 : memref<1x128x32xf32, #tpu.memory_space<vmem>> -> memref<128x32xf32, #tpu.memory_space<vmem>>
    %dma_wait3A_807 = arith.constant 0 : i32
    %dma_wait3A_808 = tpu.memref_slice %arg6[%dma_wait3A_801, %dma_wait3A_807] : memref<8x128xi32, #tpu.memory_space<vmem>> -> memref<1x128xi32, #tpu.memory_space<vmem>>
    %dma_wait3A_809 = tpu.memref_squeeze %dma_wait3A_808 : memref<1x128xi32, #tpu.memory_space<vmem>> -> memref<128xi32, #tpu.memory_space<vmem>>
    %dma_wait3A_810 = arith.constant 0 : i32
    %dma_wait3A_811 = arith.constant 0 : i32
    %dma_wait3A_812 = tpu.memref_slice %arg3[%dma_wait3A_810, %dma_wait3A_811] : memref<2048x32xf32, #tpu.memory_space<hbm>> -> memref<2048x32xf32, #tpu.memory_space<hbm>>
    tpu.wait_indirect_dma semaphore(%arg8 : memref<!tpu.dma_semaphore, #tpu.memory_space<semaphore_mem>>) src(%dma_wait3A_812 : memref<2048x32xf32, #tpu.memory_space<hbm>>) dst(%dma_wait3A_806 : memref<128x32xf32, #tpu.memory_space<vmem>>)
    %add3A_813 = arith.constant 384 : i32
    %add3A_814 = arith.addi %mul3A_2, %add3A_813 : i32
    %dma_start3A_815 = arith.constant 3 : i32
    %dma_start3A_816 = arith.constant 0 : i32
    %dma_start3A_817 = arith.constant 0 : i32
    %dma_start3A_818 = tpu.memref_slice %arg7[%dma_start3A_815, %dma_start3A_816, %dma_start3A_817] : memref<8x128x32xf32, #tpu.memory_space<vmem>> -> memref<1x128x32xf32, #tpu.memory_space<vmem>>
    %dma_start3A_819 = tpu.memref_squeeze %dma_start3A_818 : memref<1x128x32xf32, #tpu.memory_space<vmem>> -> memref<128x32xf32, #tpu.memory_space<vmem>>
    %dma_start3A_820 = arith.constant 0 : i32
    %dma_start3A_821 = tpu.memref_slice %arg4[%add3A_814, %dma_start3A_820] : memref<32768x32xf32, #tpu.memory_space<hbm>> -> memref<128x32xf32, #tpu.memory_space<hbm>>
    %dma_start3A_822 = arith.constant 0 : i32
    %dma_start3A_823 = tpu.memref_slice %arg4[%add3A_814, %dma_start3A_822] : memref<32768x32xf32, #tpu.memory_space<hbm>> -> memref<128x32xf32, #tpu.memory_space<hbm>>
    %dma_start3A_824 = arith.constant 0 : i32
    %dma_start3A_825 = arith.constant 0 : i32
    %dma_start3A_826 = tpu.memref_slice %arg7[%dma_start3A_815, %dma_start3A_824, %dma_start3A_825] : memref<8x128x32xf32, #tpu.memory_space<vmem>> -> memref<1x128x32xf32, #tpu.memory_space<vmem>>
    %dma_start3A_827 = tpu.memref_squeeze %dma_start3A_826 : memref<1x128x32xf32, #tpu.memory_space<vmem>> -> memref<128x32xf32, #tpu.memory_space<vmem>>
    tpu.enqueue_dma source(%dma_start3A_827 : memref<128x32xf32, #tpu.memory_space<vmem>>) target(%dma_start3A_823 : memref<128x32xf32, #tpu.memory_space<hbm>>) target_semaphore(%arg9 : memref<!tpu.dma_semaphore, #tpu.memory_space<semaphore_mem>>)
    %dma_wait3A_828 = arith.constant 4 : i32
    %dma_wait3A_829 = arith.constant 4 : i32
    %dma_wait3A_830 = arith.constant 0 : i32
    %dma_wait3A_831 = arith.constant 0 : i32
    %dma_wait3A_832 = tpu.memref_slice %arg7[%dma_wait3A_829, %dma_wait3A_830, %dma_wait3A_831] : memref<8x128x32xf32, #tpu.memory_space<vmem>> -> memref<1x128x32xf32, #tpu.memory_space<vmem>>
    %dma_wait3A_833 = tpu.memref_squeeze %dma_wait3A_832 : memref<1x128x32xf32, #tpu.memory_space<vmem>> -> memref<128x32xf32, #tpu.memory_space<vmem>>
    %dma_wait3A_834 = arith.constant 0 : i32
    %dma_wait3A_835 = tpu.memref_slice %arg6[%dma_wait3A_828, %dma_wait3A_834] : memref<8x128xi32, #tpu.memory_space<vmem>> -> memref<1x128xi32, #tpu.memory_space<vmem>>
    %dma_wait3A_836 = tpu.memref_squeeze %dma_wait3A_835 : memref<1x128xi32, #tpu.memory_space<vmem>> -> memref<128xi32, #tpu.memory_space<vmem>>
    %dma_wait3A_837 = arith.constant 0 : i32
    %dma_wait3A_838 = arith.constant 0 : i32
    %dma_wait3A_839 = tpu.memref_slice %arg3[%dma_wait3A_837, %dma_wait3A_838] : memref<2048x32xf32, #tpu.memory_space<hbm>> -> memref<2048x32xf32, #tpu.memory_space<hbm>>
    tpu.wait_indirect_dma semaphore(%arg8 : memref<!tpu.dma_semaphore, #tpu.memory_space<semaphore_mem>>) src(%dma_wait3A_839 : memref<2048x32xf32, #tpu.memory_space<hbm>>) dst(%dma_wait3A_833 : memref<128x32xf32, #tpu.memory_space<vmem>>)
    %add3A_840 = arith.constant 512 : i32
    %add3A_841 = arith.addi %mul3A_2, %add3A_840 : i32
    %dma_start3A_842 = arith.constant 4 : i32
    %dma_start3A_843 = arith.constant 0 : i32
    %dma_start3A_844 = arith.constant 0 : i32
    %dma_start3A_845 = tpu.memref_slice %arg7[%dma_start3A_842, %dma_start3A_843, %dma_start3A_844] : memref<8x128x32xf32, #tpu.memory_space<vmem>> -> memref<1x128x32xf32, #tpu.memory_space<vmem>>
    %dma_start3A_846 = tpu.memref_squeeze %dma_start3A_845 : memref<1x128x32xf32, #tpu.memory_space<vmem>> -> memref<128x32xf32, #tpu.memory_space<vmem>>
    %dma_start3A_847 = arith.constant 0 : i32
    %dma_start3A_848 = tpu.memref_slice %arg4[%add3A_841, %dma_start3A_847] : memref<32768x32xf32, #tpu.memory_space<hbm>> -> memref<128x32xf32, #tpu.memory_space<hbm>>
    %dma_start3A_849 = arith.constant 0 : i32
    %dma_start3A_850 = tpu.memref_slice %arg4[%add3A_841, %dma_start3A_849] : memref<32768x32xf32, #tpu.memory_space<hbm>> -> memref<128x32xf32, #tpu.memory_space<hbm>>
    %dma_start3A_851 = arith.constant 0 : i32
    %dma_start3A_852 = arith.constant 0 : i32
    %dma_start3A_853 = tpu.memref_slice %arg7[%dma_start3A_842, %dma_start3A_851, %dma_start3A_852] : memref<8x128x32xf32, #tpu.memory_space<vmem>> -> memref<1x128x32xf32, #tpu.memory_space<vmem>>
    %dma_start3A_854 = tpu.memref_squeeze %dma_start3A_853 : memref<1x128x32xf32, #tpu.memory_space<vmem>> -> memref<128x32xf32, #tpu.memory_space<vmem>>
    tpu.enqueue_dma source(%dma_start3A_854 : memref<128x32xf32, #tpu.memory_space<vmem>>) target(%dma_start3A_850 : memref<128x32xf32, #tpu.memory_space<hbm>>) target_semaphore(%arg9 : memref<!tpu.dma_semaphore, #tpu.memory_space<semaphore_mem>>)
    %dma_wait3A_855 = arith.constant 5 : i32
    %dma_wait3A_856 = arith.constant 5 : i32
    %dma_wait3A_857 = arith.constant 0 : i32
    %dma_wait3A_858 = arith.constant 0 : i32
    %dma_wait3A_859 = tpu.memref_slice %arg7[%dma_wait3A_856, %dma_wait3A_857, %dma_wait3A_858] : memref<8x128x32xf32, #tpu.memory_space<vmem>> -> memref<1x128x32xf32, #tpu.memory_space<vmem>>
    %dma_wait3A_860 = tpu.memref_squeeze %dma_wait3A_859 : memref<1x128x32xf32, #tpu.memory_space<vmem>> -> memref<128x32xf32, #tpu.memory_space<vmem>>
    %dma_wait3A_861 = arith.constant 0 : i32
    %dma_wait3A_862 = tpu.memref_slice %arg6[%dma_wait3A_855, %dma_wait3A_861] : memref<8x128xi32, #tpu.memory_space<vmem>> -> memref<1x128xi32, #tpu.memory_space<vmem>>
    %dma_wait3A_863 = tpu.memref_squeeze %dma_wait3A_862 : memref<1x128xi32, #tpu.memory_space<vmem>> -> memref<128xi32, #tpu.memory_space<vmem>>
    %dma_wait3A_864 = arith.constant 0 : i32
    %dma_wait3A_865 = arith.constant 0 : i32
    %dma_wait3A_866 = tpu.memref_slice %arg3[%dma_wait3A_864, %dma_wait3A_865] : memref<2048x32xf32, #tpu.memory_space<hbm>> -> memref<2048x32xf32, #tpu.memory_space<hbm>>
    tpu.wait_indirect_dma semaphore(%arg8 : memref<!tpu.dma_semaphore, #tpu.memory_space<semaphore_mem>>) src(%dma_wait3A_866 : memref<2048x32xf32, #tpu.memory_space<hbm>>) dst(%dma_wait3A_860 : memref<128x32xf32, #tpu.memory_space<vmem>>)
    %add3A_867 = arith.constant 640 : i32
    %add3A_868 = arith.addi %mul3A_2, %add3A_867 : i32
    %dma_start3A_869 = arith.constant 5 : i32
    %dma_start3A_870 = arith.constant 0 : i32
    %dma_start3A_871 = arith.constant 0 : i32
    %dma_start3A_872 = tpu.memref_slice %arg7[%dma_start3A_869, %dma_start3A_870, %dma_start3A_871] : memref<8x128x32xf32, #tpu.memory_space<vmem>> -> memref<1x128x32xf32, #tpu.memory_space<vmem>>
    %dma_start3A_873 = tpu.memref_squeeze %dma_start3A_872 : memref<1x128x32xf32, #tpu.memory_space<vmem>> -> memref<128x32xf32, #tpu.memory_space<vmem>>
    %dma_start3A_874 = arith.constant 0 : i32
    %dma_start3A_875 = tpu.memref_slice %arg4[%add3A_868, %dma_start3A_874] : memref<32768x32xf32, #tpu.memory_space<hbm>> -> memref<128x32xf32, #tpu.memory_space<hbm>>
    %dma_start3A_876 = arith.constant 0 : i32
    %dma_start3A_877 = tpu.memref_slice %arg4[%add3A_868, %dma_start3A_876] : memref<32768x32xf32, #tpu.memory_space<hbm>> -> memref<128x32xf32, #tpu.memory_space<hbm>>
    %dma_start3A_878 = arith.constant 0 : i32
    %dma_start3A_879 = arith.constant 0 : i32
    %dma_start3A_880 = tpu.memref_slice %arg7[%dma_start3A_869, %dma_start3A_878, %dma_start3A_879] : memref<8x128x32xf32, #tpu.memory_space<vmem>> -> memref<1x128x32xf32, #tpu.memory_space<vmem>>
    %dma_start3A_881 = tpu.memref_squeeze %dma_start3A_880 : memref<1x128x32xf32, #tpu.memory_space<vmem>> -> memref<128x32xf32, #tpu.memory_space<vmem>>
    tpu.enqueue_dma source(%dma_start3A_881 : memref<128x32xf32, #tpu.memory_space<vmem>>) target(%dma_start3A_877 : memref<128x32xf32, #tpu.memory_space<hbm>>) target_semaphore(%arg9 : memref<!tpu.dma_semaphore, #tpu.memory_space<semaphore_mem>>)
    %dma_wait3A_882 = arith.constant 6 : i32
    %dma_wait3A_883 = arith.constant 6 : i32
    %dma_wait3A_884 = arith.constant 0 : i32
    %dma_wait3A_885 = arith.constant 0 : i32
    %dma_wait3A_886 = tpu.memref_slice %arg7[%dma_wait3A_883, %dma_wait3A_884, %dma_wait3A_885] : memref<8x128x32xf32, #tpu.memory_space<vmem>> -> memref<1x128x32xf32, #tpu.memory_space<vmem>>
    %dma_wait3A_887 = tpu.memref_squeeze %dma_wait3A_886 : memref<1x128x32xf32, #tpu.memory_space<vmem>> -> memref<128x32xf32, #tpu.memory_space<vmem>>
    %dma_wait3A_888 = arith.constant 0 : i32
    %dma_wait3A_889 = tpu.memref_slice %arg6[%dma_wait3A_882, %dma_wait3A_888] : memref<8x128xi32, #tpu.memory_space<vmem>> -> memref<1x128xi32, #tpu.memory_space<vmem>>
    %dma_wait3A_890 = tpu.memref_squeeze %dma_wait3A_889 : memref<1x128xi32, #tpu.memory_space<vmem>> -> memref<128xi32, #tpu.memory_space<vmem>>
    %dma_wait3A_891 = arith.constant 0 : i32
    %dma_wait3A_892 = arith.constant 0 : i32
    %dma_wait3A_893 = tpu.memref_slice %arg3[%dma_wait3A_891, %dma_wait3A_892] : memref<2048x32xf32, #tpu.memory_space<hbm>> -> memref<2048x32xf32, #tpu.memory_space<hbm>>
    tpu.wait_indirect_dma semaphore(%arg8 : memref<!tpu.dma_semaphore, #tpu.memory_space<semaphore_mem>>) src(%dma_wait3A_893 : memref<2048x32xf32, #tpu.memory_space<hbm>>) dst(%dma_wait3A_887 : memref<128x32xf32, #tpu.memory_space<vmem>>)
    %add3A_894 = arith.constant 768 : i32
    %add3A_895 = arith.addi %mul3A_2, %add3A_894 : i32
    %dma_start3A_896 = arith.constant 6 : i32
    %dma_start3A_897 = arith.constant 0 : i32
    %dma_start3A_898 = arith.constant 0 : i32
    %dma_start3A_899 = tpu.memref_slice %arg7[%dma_start3A_896, %dma_start3A_897, %dma_start3A_898] : memref<8x128x32xf32, #tpu.memory_space<vmem>> -> memref<1x128x32xf32, #tpu.memory_space<vmem>>
    %dma_start3A_900 = tpu.memref_squeeze %dma_start3A_899 : memref<1x128x32xf32, #tpu.memory_space<vmem>> -> memref<128x32xf32, #tpu.memory_space<vmem>>
    %dma_start3A_901 = arith.constant 0 : i32
    %dma_start3A_902 = tpu.memref_slice %arg4[%add3A_895, %dma_start3A_901] : memref<32768x32xf32, #tpu.memory_space<hbm>> -> memref<128x32xf32, #tpu.memory_space<hbm>>
    %dma_start3A_903 = arith.constant 0 : i32
    %dma_start3A_904 = tpu.memref_slice %arg4[%add3A_895, %dma_start3A_903] : memref<32768x32xf32, #tpu.memory_space<hbm>> -> memref<128x32xf32, #tpu.memory_space<hbm>>
    %dma_start3A_905 = arith.constant 0 : i32
    %dma_start3A_906 = arith.constant 0 : i32
    %dma_start3A_907 = tpu.memref_slice %arg7[%dma_start3A_896, %dma_start3A_905, %dma_start3A_906] : memref<8x128x32xf32, #tpu.memory_space<vmem>> -> memref<1x128x32xf32, #tpu.memory_space<vmem>>
    %dma_start3A_908 = tpu.memref_squeeze %dma_start3A_907 : memref<1x128x32xf32, #tpu.memory_space<vmem>> -> memref<128x32xf32, #tpu.memory_space<vmem>>
    tpu.enqueue_dma source(%dma_start3A_908 : memref<128x32xf32, #tpu.memory_space<vmem>>) target(%dma_start3A_904 : memref<128x32xf32, #tpu.memory_space<hbm>>) target_semaphore(%arg9 : memref<!tpu.dma_semaphore, #tpu.memory_space<semaphore_mem>>)
    %dma_wait3A_909 = arith.constant 7 : i32
    %dma_wait3A_910 = arith.constant 7 : i32
    %dma_wait3A_911 = arith.constant 0 : i32
    %dma_wait3A_912 = arith.constant 0 : i32
    %dma_wait3A_913 = tpu.memref_slice %arg7[%dma_wait3A_910, %dma_wait3A_911, %dma_wait3A_912] : memref<8x128x32xf32, #tpu.memory_space<vmem>> -> memref<1x128x32xf32, #tpu.memory_space<vmem>>
    %dma_wait3A_914 = tpu.memref_squeeze %dma_wait3A_913 : memref<1x128x32xf32, #tpu.memory_space<vmem>> -> memref<128x32xf32, #tpu.memory_space<vmem>>
    %dma_wait3A_915 = arith.constant 0 : i32
    %dma_wait3A_916 = tpu.memref_slice %arg6[%dma_wait3A_909, %dma_wait3A_915] : memref<8x128xi32, #tpu.memory_space<vmem>> -> memref<1x128xi32, #tpu.memory_space<vmem>>
    %dma_wait3A_917 = tpu.memref_squeeze %dma_wait3A_916 : memref<1x128xi32, #tpu.memory_space<vmem>> -> memref<128xi32, #tpu.memory_space<vmem>>
    %dma_wait3A_918 = arith.constant 0 : i32
    %dma_wait3A_919 = arith.constant 0 : i32
    %dma_wait3A_920 = tpu.memref_slice %arg3[%dma_wait3A_918, %dma_wait3A_919] : memref<2048x32xf32, #tpu.memory_space<hbm>> -> memref<2048x32xf32, #tpu.memory_space<hbm>>
    tpu.wait_indirect_dma semaphore(%arg8 : memref<!tpu.dma_semaphore, #tpu.memory_space<semaphore_mem>>) src(%dma_wait3A_920 : memref<2048x32xf32, #tpu.memory_space<hbm>>) dst(%dma_wait3A_914 : memref<128x32xf32, #tpu.memory_space<vmem>>)
    %add3A_921 = arith.constant 896 : i32
    %add3A_922 = arith.addi %mul3A_2, %add3A_921 : i32
    %dma_start3A_923 = arith.constant 7 : i32
    %dma_start3A_924 = arith.constant 0 : i32
    %dma_start3A_925 = arith.constant 0 : i32
    %dma_start3A_926 = tpu.memref_slice %arg7[%dma_start3A_923, %dma_start3A_924, %dma_start3A_925] : memref<8x128x32xf32, #tpu.memory_space<vmem>> -> memref<1x128x32xf32, #tpu.memory_space<vmem>>
    %dma_start3A_927 = tpu.memref_squeeze %dma_start3A_926 : memref<1x128x32xf32, #tpu.memory_space<vmem>> -> memref<128x32xf32, #tpu.memory_space<vmem>>
    %dma_start3A_928 = arith.constant 0 : i32
    %dma_start3A_929 = tpu.memref_slice %arg4[%add3A_922, %dma_start3A_928] : memref<32768x32xf32, #tpu.memory_space<hbm>> -> memref<128x32xf32, #tpu.memory_space<hbm>>
    %dma_start3A_930 = arith.constant 0 : i32
    %dma_start3A_931 = tpu.memref_slice %arg4[%add3A_922, %dma_start3A_930] : memref<32768x32xf32, #tpu.memory_space<hbm>> -> memref<128x32xf32, #tpu.memory_space<hbm>>
    %dma_start3A_932 = arith.constant 0 : i32
    %dma_start3A_933 = arith.constant 0 : i32
    %dma_start3A_934 = tpu.memref_slice %arg7[%dma_start3A_923, %dma_start3A_932, %dma_start3A_933] : memref<8x128x32xf32, #tpu.memory_space<vmem>> -> memref<1x128x32xf32, #tpu.memory_space<vmem>>
    %dma_start3A_935 = tpu.memref_squeeze %dma_start3A_934 : memref<1x128x32xf32, #tpu.memory_space<vmem>> -> memref<128x32xf32, #tpu.memory_space<vmem>>
    tpu.enqueue_dma source(%dma_start3A_935 : memref<128x32xf32, #tpu.memory_space<vmem>>) target(%dma_start3A_931 : memref<128x32xf32, #tpu.memory_space<hbm>>) target_semaphore(%arg9 : memref<!tpu.dma_semaphore, #tpu.memory_space<semaphore_mem>>)
    %dma_wait3A_936 = arith.constant 0 : i32
    %dma_wait3A_937 = arith.constant 0 : i32
    %dma_wait3A_938 = arith.constant 0 : i32
    %dma_wait3A_939 = tpu.memref_slice %arg7[%dma_wait3A_936, %dma_wait3A_937, %dma_wait3A_938] : memref<8x128x32xf32, #tpu.memory_space<vmem>> -> memref<1x128x32xf32, #tpu.memory_space<vmem>>
    %dma_wait3A_940 = tpu.memref_squeeze %dma_wait3A_939 : memref<1x128x32xf32, #tpu.memory_space<vmem>> -> memref<128x32xf32, #tpu.memory_space<vmem>>
    %dma_wait3A_941 = arith.constant 0 : i32
    %dma_wait3A_942 = tpu.memref_slice %arg4[%add3A_733, %dma_wait3A_941] : memref<32768x32xf32, #tpu.memory_space<hbm>> -> memref<128x32xf32, #tpu.memory_space<hbm>>
    %dma_wait3A_943 = arith.constant 0 : i32
    %dma_wait3A_944 = tpu.memref_slice %arg4[%add3A_733, %dma_wait3A_943] : memref<32768x32xf32, #tpu.memory_space<hbm>> -> memref<128x32xf32, #tpu.memory_space<hbm>>
    %dma_wait3A_945 = arith.constant 0 : i32
    %dma_wait3A_946 = arith.constant 0 : i32
    %dma_wait3A_947 = tpu.memref_slice %arg7[%dma_wait3A_936, %dma_wait3A_945, %dma_wait3A_946] : memref<8x128x32xf32, #tpu.memory_space<vmem>> -> memref<1x128x32xf32, #tpu.memory_space<vmem>>
    %dma_wait3A_948 = tpu.memref_squeeze %dma_wait3A_947 : memref<1x128x32xf32, #tpu.memory_space<vmem>> -> memref<128x32xf32, #tpu.memory_space<vmem>>
    tpu.wait_dma2 semaphore(%arg9 : memref<!tpu.dma_semaphore, #tpu.memory_space<semaphore_mem>>) src(%dma_wait3A_948 : memref<128x32xf32, #tpu.memory_space<vmem>>) dst(%dma_wait3A_944 : memref<128x32xf32, #tpu.memory_space<hbm>>)
    %dma_wait3A_949 = arith.constant 1 : i32
    %dma_wait3A_950 = arith.constant 0 : i32
    %dma_wait3A_951 = arith.constant 0 : i32
    %dma_wait3A_952 = tpu.memref_slice %arg7[%dma_wait3A_949, %dma_wait3A_950, %dma_wait3A_951] : memref<8x128x32xf32, #tpu.memory_space<vmem>> -> memref<1x128x32xf32, #tpu.memory_space<vmem>>
    %dma_wait3A_953 = tpu.memref_squeeze %dma_wait3A_952 : memref<1x128x32xf32, #tpu.memory_space<vmem>> -> memref<128x32xf32, #tpu.memory_space<vmem>>
    %dma_wait3A_954 = arith.constant 0 : i32
    %dma_wait3A_955 = tpu.memref_slice %arg4[%add3A_760, %dma_wait3A_954] : memref<32768x32xf32, #tpu.memory_space<hbm>> -> memref<128x32xf32, #tpu.memory_space<hbm>>
    %dma_wait3A_956 = arith.constant 0 : i32
    %dma_wait3A_957 = tpu.memref_slice %arg4[%add3A_760, %dma_wait3A_956] : memref<32768x32xf32, #tpu.memory_space<hbm>> -> memref<128x32xf32, #tpu.memory_space<hbm>>
    %dma_wait3A_958 = arith.constant 0 : i32
    %dma_wait3A_959 = arith.constant 0 : i32
    %dma_wait3A_960 = tpu.memref_slice %arg7[%dma_wait3A_949, %dma_wait3A_958, %dma_wait3A_959] : memref<8x128x32xf32, #tpu.memory_space<vmem>> -> memref<1x128x32xf32, #tpu.memory_space<vmem>>
    %dma_wait3A_961 = tpu.memref_squeeze %dma_wait3A_960 : memref<1x128x32xf32, #tpu.memory_space<vmem>> -> memref<128x32xf32, #tpu.memory_space<vmem>>
    tpu.wait_dma2 semaphore(%arg9 : memref<!tpu.dma_semaphore, #tpu.memory_space<semaphore_mem>>) src(%dma_wait3A_961 : memref<128x32xf32, #tpu.memory_space<vmem>>) dst(%dma_wait3A_957 : memref<128x32xf32, #tpu.memory_space<hbm>>)
    %dma_wait3A_962 = arith.constant 2 : i32
    %dma_wait3A_963 = arith.constant 0 : i32
    %dma_wait3A_964 = arith.constant 0 : i32
    %dma_wait3A_965 = tpu.memref_slice %arg7[%dma_wait3A_962, %dma_wait3A_963, %dma_wait3A_964] : memref<8x128x32xf32, #tpu.memory_space<vmem>> -> memref<1x128x32xf32, #tpu.memory_space<vmem>>
    %dma_wait3A_966 = tpu.memref_squeeze %dma_wait3A_965 : memref<1x128x32xf32, #tpu.memory_space<vmem>> -> memref<128x32xf32, #tpu.memory_space<vmem>>
    %dma_wait3A_967 = arith.constant 0 : i32
    %dma_wait3A_968 = tpu.memref_slice %arg4[%add3A_787, %dma_wait3A_967] : memref<32768x32xf32, #tpu.memory_space<hbm>> -> memref<128x32xf32, #tpu.memory_space<hbm>>
    %dma_wait3A_969 = arith.constant 0 : i32
    %dma_wait3A_970 = tpu.memref_slice %arg4[%add3A_787, %dma_wait3A_969] : memref<32768x32xf32, #tpu.memory_space<hbm>> -> memref<128x32xf32, #tpu.memory_space<hbm>>
    %dma_wait3A_971 = arith.constant 0 : i32
    %dma_wait3A_972 = arith.constant 0 : i32
    %dma_wait3A_973 = tpu.memref_slice %arg7[%dma_wait3A_962, %dma_wait3A_971, %dma_wait3A_972] : memref<8x128x32xf32, #tpu.memory_space<vmem>> -> memref<1x128x32xf32, #tpu.memory_space<vmem>>
    %dma_wait3A_974 = tpu.memref_squeeze %dma_wait3A_973 : memref<1x128x32xf32, #tpu.memory_space<vmem>> -> memref<128x32xf32, #tpu.memory_space<vmem>>
    tpu.wait_dma2 semaphore(%arg9 : memref<!tpu.dma_semaphore, #tpu.memory_space<semaphore_mem>>) src(%dma_wait3A_974 : memref<128x32xf32, #tpu.memory_space<vmem>>) dst(%dma_wait3A_970 : memref<128x32xf32, #tpu.memory_space<hbm>>)
    %dma_wait3A_975 = arith.constant 3 : i32
    %dma_wait3A_976 = arith.constant 0 : i32
    %dma_wait3A_977 = arith.constant 0 : i32
    %dma_wait3A_978 = tpu.memref_slice %arg7[%dma_wait3A_975, %dma_wait3A_976, %dma_wait3A_977] : memref<8x128x32xf32, #tpu.memory_space<vmem>> -> memref<1x128x32xf32, #tpu.memory_space<vmem>>
    %dma_wait3A_979 = tpu.memref_squeeze %dma_wait3A_978 : memref<1x128x32xf32, #tpu.memory_space<vmem>> -> memref<128x32xf32, #tpu.memory_space<vmem>>
    %dma_wait3A_980 = arith.constant 0 : i32
    %dma_wait3A_981 = tpu.memref_slice %arg4[%add3A_814, %dma_wait3A_980] : memref<32768x32xf32, #tpu.memory_space<hbm>> -> memref<128x32xf32, #tpu.memory_space<hbm>>
    %dma_wait3A_982 = arith.constant 0 : i32
    %dma_wait3A_983 = tpu.memref_slice %arg4[%add3A_814, %dma_wait3A_982] : memref<32768x32xf32, #tpu.memory_space<hbm>> -> memref<128x32xf32, #tpu.memory_space<hbm>>
    %dma_wait3A_984 = arith.constant 0 : i32
    %dma_wait3A_985 = arith.constant 0 : i32
    %dma_wait3A_986 = tpu.memref_slice %arg7[%dma_wait3A_975, %dma_wait3A_984, %dma_wait3A_985] : memref<8x128x32xf32, #tpu.memory_space<vmem>> -> memref<1x128x32xf32, #tpu.memory_space<vmem>>
    %dma_wait3A_987 = tpu.memref_squeeze %dma_wait3A_986 : memref<1x128x32xf32, #tpu.memory_space<vmem>> -> memref<128x32xf32, #tpu.memory_space<vmem>>
    tpu.wait_dma2 semaphore(%arg9 : memref<!tpu.dma_semaphore, #tpu.memory_space<semaphore_mem>>) src(%dma_wait3A_987 : memref<128x32xf32, #tpu.memory_space<vmem>>) dst(%dma_wait3A_983 : memref<128x32xf32, #tpu.memory_space<hbm>>)
    %dma_wait3A_988 = arith.constant 4 : i32
    %dma_wait3A_989 = arith.constant 0 : i32
    %dma_wait3A_990 = arith.constant 0 : i32
    %dma_wait3A_991 = tpu.memref_slice %arg7[%dma_wait3A_988, %dma_wait3A_989, %dma_wait3A_990] : memref<8x128x32xf32, #tpu.memory_space<vmem>> -> memref<1x128x32xf32, #tpu.memory_space<vmem>>
    %dma_wait3A_992 = tpu.memref_squeeze %dma_wait3A_991 : memref<1x128x32xf32, #tpu.memory_space<vmem>> -> memref<128x32xf32, #tpu.memory_space<vmem>>
    %dma_wait3A_993 = arith.constant 0 : i32
    %dma_wait3A_994 = tpu.memref_slice %arg4[%add3A_841, %dma_wait3A_993] : memref<32768x32xf32, #tpu.memory_space<hbm>> -> memref<128x32xf32, #tpu.memory_space<hbm>>
    %dma_wait3A_995 = arith.constant 0 : i32
    %dma_wait3A_996 = tpu.memref_slice %arg4[%add3A_841, %dma_wait3A_995] : memref<32768x32xf32, #tpu.memory_space<hbm>> -> memref<128x32xf32, #tpu.memory_space<hbm>>
    %dma_wait3A_997 = arith.constant 0 : i32
    %dma_wait3A_998 = arith.constant 0 : i32
    %dma_wait3A_999 = tpu.memref_slice %arg7[%dma_wait3A_988, %dma_wait3A_997, %dma_wait3A_998] : memref<8x128x32xf32, #tpu.memory_space<vmem>> -> memref<1x128x32xf32, #tpu.memory_space<vmem>>
    %dma_wait3A_1000 = tpu.memref_squeeze %dma_wait3A_999 : memref<1x128x32xf32, #tpu.memory_space<vmem>> -> memref<128x32xf32, #tpu.memory_space<vmem>>
    tpu.wait_dma2 semaphore(%arg9 : memref<!tpu.dma_semaphore, #tpu.memory_space<semaphore_mem>>) src(%dma_wait3A_1000 : memref<128x32xf32, #tpu.memory_space<vmem>>) dst(%dma_wait3A_996 : memref<128x32xf32, #tpu.memory_space<hbm>>)
    %dma_wait3A_1001 = arith.constant 5 : i32
    %dma_wait3A_1002 = arith.constant 0 : i32
    %dma_wait3A_1003 = arith.constant 0 : i32
    %dma_wait3A_1004 = tpu.memref_slice %arg7[%dma_wait3A_1001, %dma_wait3A_1002, %dma_wait3A_1003] : memref<8x128x32xf32, #tpu.memory_space<vmem>> -> memref<1x128x32xf32, #tpu.memory_space<vmem>>
    %dma_wait3A_1005 = tpu.memref_squeeze %dma_wait3A_1004 : memref<1x128x32xf32, #tpu.memory_space<vmem>> -> memref<128x32xf32, #tpu.memory_space<vmem>>
    %dma_wait3A_1006 = arith.constant 0 : i32
    %dma_wait3A_1007 = tpu.memref_slice %arg4[%add3A_868, %dma_wait3A_1006] : memref<32768x32xf32, #tpu.memory_space<hbm>> -> memref<128x32xf32, #tpu.memory_space<hbm>>
    %dma_wait3A_1008 = arith.constant 0 : i32
    %dma_wait3A_1009 = tpu.memref_slice %arg4[%add3A_868, %dma_wait3A_1008] : memref<32768x32xf32, #tpu.memory_space<hbm>> -> memref<128x32xf32, #tpu.memory_space<hbm>>
    %dma_wait3A_1010 = arith.constant 0 : i32
    %dma_wait3A_1011 = arith.constant 0 : i32
    %dma_wait3A_1012 = tpu.memref_slice %arg7[%dma_wait3A_1001, %dma_wait3A_1010, %dma_wait3A_1011] : memref<8x128x32xf32, #tpu.memory_space<vmem>> -> memref<1x128x32xf32, #tpu.memory_space<vmem>>
    %dma_wait3A_1013 = tpu.memref_squeeze %dma_wait3A_1012 : memref<1x128x32xf32, #tpu.memory_space<vmem>> -> memref<128x32xf32, #tpu.memory_space<vmem>>
    tpu.wait_dma2 semaphore(%arg9 : memref<!tpu.dma_semaphore, #tpu.memory_space<semaphore_mem>>) src(%dma_wait3A_1013 : memref<128x32xf32, #tpu.memory_space<vmem>>) dst(%dma_wait3A_1009 : memref<128x32xf32, #tpu.memory_space<hbm>>)
    %dma_wait3A_1014 = arith.constant 6 : i32
    %dma_wait3A_1015 = arith.constant 0 : i32
    %dma_wait3A_1016 = arith.constant 0 : i32
    %dma_wait3A_1017 = tpu.memref_slice %arg7[%dma_wait3A_1014, %dma_wait3A_1015, %dma_wait3A_1016] : memref<8x128x32xf32, #tpu.memory_space<vmem>> -> memref<1x128x32xf32, #tpu.memory_space<vmem>>
    %dma_wait3A_1018 = tpu.memref_squeeze %dma_wait3A_1017 : memref<1x128x32xf32, #tpu.memory_space<vmem>> -> memref<128x32xf32, #tpu.memory_space<vmem>>
    %dma_wait3A_1019 = arith.constant 0 : i32
    %dma_wait3A_1020 = tpu.memref_slice %arg4[%add3A_895, %dma_wait3A_1019] : memref<32768x32xf32, #tpu.memory_space<hbm>> -> memref<128x32xf32, #tpu.memory_space<hbm>>
    %dma_wait3A_1021 = arith.constant 0 : i32
    %dma_wait3A_1022 = tpu.memref_slice %arg4[%add3A_895, %dma_wait3A_1021] : memref<32768x32xf32, #tpu.memory_space<hbm>> -> memref<128x32xf32, #tpu.memory_space<hbm>>
    %dma_wait3A_1023 = arith.constant 0 : i32
    %dma_wait3A_1024 = arith.constant 0 : i32
    %dma_wait3A_1025 = tpu.memref_slice %arg7[%dma_wait3A_1014, %dma_wait3A_1023, %dma_wait3A_1024] : memref<8x128x32xf32, #tpu.memory_space<vmem>> -> memref<1x128x32xf32, #tpu.memory_space<vmem>>
    %dma_wait3A_1026 = tpu.memref_squeeze %dma_wait3A_1025 : memref<1x128x32xf32, #tpu.memory_space<vmem>> -> memref<128x32xf32, #tpu.memory_space<vmem>>
    tpu.wait_dma2 semaphore(%arg9 : memref<!tpu.dma_semaphore, #tpu.memory_space<semaphore_mem>>) src(%dma_wait3A_1026 : memref<128x32xf32, #tpu.memory_space<vmem>>) dst(%dma_wait3A_1022 : memref<128x32xf32, #tpu.memory_space<hbm>>)
    %dma_wait3A_1027 = arith.constant 7 : i32
    %dma_wait3A_1028 = arith.constant 0 : i32
    %dma_wait3A_1029 = arith.constant 0 : i32
    %dma_wait3A_1030 = tpu.memref_slice %arg7[%dma_wait3A_1027, %dma_wait3A_1028, %dma_wait3A_1029] : memref<8x128x32xf32, #tpu.memory_space<vmem>> -> memref<1x128x32xf32, #tpu.memory_space<vmem>>
    %dma_wait3A_1031 = tpu.memref_squeeze %dma_wait3A_1030 : memref<1x128x32xf32, #tpu.memory_space<vmem>> -> memref<128x32xf32, #tpu.memory_space<vmem>>
    %dma_wait3A_1032 = arith.constant 0 : i32
    %dma_wait3A_1033 = tpu.memref_slice %arg4[%add3A_922, %dma_wait3A_1032] : memref<32768x32xf32, #tpu.memory_space<hbm>> -> memref<128x32xf32, #tpu.memory_space<hbm>>
    %dma_wait3A_1034 = arith.constant 0 : i32
    %dma_wait3A_1035 = tpu.memref_slice %arg4[%add3A_922, %dma_wait3A_1034] : memref<32768x32xf32, #tpu.memory_space<hbm>> -> memref<128x32xf32, #tpu.memory_space<hbm>>
    %dma_wait3A_1036 = arith.constant 0 : i32
    %dma_wait3A_1037 = arith.constant 0 : i32
    %dma_wait3A_1038 = tpu.memref_slice %arg7[%dma_wait3A_1027, %dma_wait3A_1036, %dma_wait3A_1037] : memref<8x128x32xf32, #tpu.memory_space<vmem>> -> memref<1x128x32xf32, #tpu.memory_space<vmem>>
    %dma_wait3A_1039 = tpu.memref_squeeze %dma_wait3A_1038 : memref<1x128x32xf32, #tpu.memory_space<vmem>> -> memref<128x32xf32, #tpu.memory_space<vmem>>
    tpu.wait_dma2 semaphore(%arg9 : memref<!tpu.dma_semaphore, #tpu.memory_space<semaphore_mem>>) src(%dma_wait3A_1039 : memref<128x32xf32, #tpu.memory_space<vmem>>) dst(%dma_wait3A_1035 : memref<128x32xf32, #tpu.memory_space<hbm>>)
    return
  }
}

module attributes {stable_mosaic.version = 14 : i64} {
  func.func @_proj_body(%arg0: i32, %arg1: i32, %arg2: memref<2048x128xf32, #tpu.memory_space<vmem>>, %arg3: memref<128x128xf32, #tpu.memory_space<vmem>>, %arg4: memref<1x128xf32, #tpu.memory_space<vmem>>, %arg5: memref<1x32x8192xf32, #tpu.memory_space<vmem>>) attributes {dimension_semantics = [#tpu.dimension_semantics<arbitrary>, #tpu.dimension_semantics<arbitrary>], iteration_bounds = array<i64: 4, 1>, scalar_prefetch = 0 : i64, scratch_operands = 0 : i64, tpu.core_type = #tpu.core_type<tc>, window_params = [{transform_indices = @transform_0, window_bounds = array<i64: 2048, 128>}, {pipeline_mode = #tpu.pipeline_mode<synchronous>, transform_indices = @transform_1, window_bounds = array<i64: 128, 128>}, {pipeline_mode = #tpu.pipeline_mode<synchronous>, transform_indices = @transform_2, window_bounds = array<i64: 1, 128>}, {transform_indices = @transform_3, window_bounds = array<i64: 1, 32, 8192>}]} {
    %get3A = arith.constant 0 : index
    %get3A_0 = arith.constant 0 : index
    %get3A_1 = vector.load %arg2[%get3A, %get3A_0] : memref<2048x128xf32, #tpu.memory_space<vmem>>, vector<2048x128xf32>
    %get3A_2 = arith.constant 0 : index
    %get3A_3 = arith.constant 0 : index
    %get3A_4 = vector.load %arg3[%get3A_2, %get3A_3] : memref<128x128xf32, #tpu.memory_space<vmem>>, vector<128x128xf32>
    %dot_general3A = arith.constant dense<0.000000e+00> : vector<2048x128xf32>
    %dot_general3A_5 = tpu.matmul %get3A_1, %get3A_4, %dot_general3A {dimension_numbers = #tpu.dot_dimension_numbers<[1], [0], [0], [1], [0, 0, 1, 1], [], []>, transpose_lhs_hint = false} : vector<2048x128xf32>, vector<128x128xf32>, vector<2048x128xf32> -> vector<2048x128xf32>
    %get3A_6 = arith.constant 0 : index
    %get3A_7 = arith.constant 0 : index
    %get3A_8 = vector.load %arg4[%get3A_6, %get3A_7] : memref<1x128xf32, #tpu.memory_space<vmem>>, vector<1x128xf32>
    %add3A = vector.broadcast %get3A_8 : vector<1x128xf32> to vector<2048x128xf32>
    %add3A_9 = arith.addf %dot_general3A_5, %add3A : vector<2048x128xf32>
    %transpose3A = tpu.transpose %add3A_9, [1, 0] : vector<2048x128xf32> -> vector<128x2048xf32>
    %slice3A = vector.extract_strided_slice %transpose3A {offsets = [0, 0], sizes = [32, 2048], strides = [1, 1]} : vector<128x2048xf32> to vector<32x2048xf32>
    %slice3A_10 = vector.extract_strided_slice %transpose3A {offsets = [32, 0], sizes = [32, 2048], strides = [1, 1]} : vector<128x2048xf32> to vector<32x2048xf32>
    %slice3A_11 = vector.extract_strided_slice %transpose3A {offsets = [64, 0], sizes = [32, 2048], strides = [1, 1]} : vector<128x2048xf32> to vector<32x2048xf32>
    %slice3A_12 = vector.extract_strided_slice %transpose3A {offsets = [96, 0], sizes = [32, 2048], strides = [1, 1]} : vector<128x2048xf32> to vector<32x2048xf32>
    %concatenate3A = tpu.concatenate %slice3A, %slice3A_10, %slice3A_11, %slice3A_12 in 1 : vector<32x2048xf32>, vector<32x2048xf32>, vector<32x2048xf32>, vector<32x2048xf32> -> vector<32x8192xf32>
    %broadcast_in_dim3A = vector.shape_cast %concatenate3A : vector<32x8192xf32> to vector<1x32x8192xf32>
    %swap3A = arith.constant 0 : index
    %swap3A_13 = arith.constant 0 : index
    %swap3A_14 = arith.constant 0 : index
    %swap3A_15 = vector.load %arg5[%swap3A, %swap3A_13, %swap3A_14] : memref<1x32x8192xf32, #tpu.memory_space<vmem>>, vector<1x32x8192xf32>
    tpu.vector_store %arg5[%swap3A, %swap3A_13, %swap3A_14], %broadcast_in_dim3A {strides = array<i32>} : memref<1x32x8192xf32, #tpu.memory_space<vmem>>, vector<1x32x8192xf32>,
    return
  }
  func.func @transform_0(%arg0: i32, %arg1: i32) -> (i32, i32) {
    %mul3A = arith.constant 1 : i32
    %mul3A_0 = arith.muli %arg0, %mul3A : i32
    %add3A = arith.addi %mul3A_0, %arg1 : i32
    %c0_i32 = arith.constant 0 : i32
    %c0_i32_1 = arith.constant 0 : i32
    return %add3A, %c0_i32 : i32, i32
  }
  func.func @transform_1(%arg0: i32, %arg1: i32) -> (i32, i32) {
    %c0_i32 = arith.constant 0 : i32
    %c0_i32_0 = arith.constant 0 : i32
    %c0_i32_1 = arith.constant 0 : i32
    return %c0_i32, %c0_i32_0 : i32, i32
  }
  func.func @transform_2(%arg0: i32, %arg1: i32) -> (i32, i32) {
    %c0_i32 = arith.constant 0 : i32
    %c0_i32_0 = arith.constant 0 : i32
    %c0_i32_1 = arith.constant 0 : i32
    return %c0_i32, %c0_i32_0 : i32, i32
  }
  func.func @transform_3(%arg0: i32, %arg1: i32) -> (i32, i32, i32) {
    %c0_i32 = arith.constant 0 : i32
    %c0_i32_0 = arith.constant 0 : i32
    return %arg0, %c0_i32, %arg1 : i32, i32, i32
  }
}

</mosaic_0001>

<sc_bundles>
// kernel: kernel.4.cloned.1.call-start
scs
__scs_entry_jumppad:
0x0: {  	(pc) =	sbr.rel $0x88, $3  }
0x1: {  	(tag) =	ssettag $0x0;
	lr =	simm.s32 $0x1  }
0x2: {  	[smem:$0x3F9D] =	sst lr;
	_ =	strace $0xD0000000  }
0x3: {  	_ = 	snop  }
0x4: {  	_ = 	snop  }
0x5: {  	_ = 	snop  }
0x6: {  	_ = 	snop  }
0x7: {  	_ = 	snop  }
__scs_overlays_trampoline_lowered:
0x8: {  	[smem:$0x3FAC] =	sst s0  }
0x9: {  	[smem:$0x3FAD] =	sst s1  }
0xa: {  	[smem:$0x3FAE] =	sst s2  }
0xb: {  	[smem:$0x3FAF] =	sst s3  }
0xc: {  	[smem:$0x3FB0] =	sst s4  }
0xd: {  	[smem:$0x3FB1] =	sst s5  }
0xe: {  	[smem:$0x3FB2] =	sst s6  }
0xf: {  	[smem:$0x3FB3] =	sst s7  }
0x10: {  	[smem:$0x3FB4] =	sst s8  }
0x11: {  	[smem:$0x3FB5] =	sst s9;
	s0 =	simm.s32 @!p0 $0x0  }
0x12: {  	s1 =	sld [smem:$0x3F9B];
	s0 =	simm.s32 @p0 $0x1  }
0x13: {  	[smem:$0x3FB6] =	sst s0;
	s0 =	simm.s32 @!p1 $0x0  }
0x14: {  	s2 =	sld [smem:$0x3F9A];
	s0 =	simm.s32 @p1 $0x1  }
0x15: {  	[smem:$0x3FB7] =	sst s0;
	s0 =	simm.s32 @!p2 $0x0  }
0x16: {  	s3 =	sld [smem:$0x3FDB];
	s0 =	simm.s32 @p2 $0x1  }
0x17: {  	s4 =	simm.s32 $0x1BF5;
	[smem:$0x3FB9] =	sst s0  }
0x18: {  	s0 =	sld [smem:$0x3F9C];
	_ =	swait.ge [sflag:s4], $0x0  }
0x19: {  	s7 =	sld [smem:$0x3F9D]  }
0x1a: {  	s8 =	sadd.s32 $0xFFFFE003, lr  }
0x1b: {  	s9 =	sadd.s32 $0xFFFFFEF7, lr;
	s5 =	simm.s32 $0xFFFFFFFF;
	p2 =	slt.u32 s8, $0xFFFFF086  }
0x1c: {  	p1 =	slt.u32 s9, $0xF7A;
	s5 =	simm.s32 @!p2 $0x0  }
0x1d: {  	s5 =	simm.s32 @p1 $0x1;
	p0 =	seq.s32 s7, s2  }
0x1e: {  	s7 =	smul.u32 @!p0 $0xF7A, s2;
	p2 =	seq.s32 @!p0 s5, $0x0  }
0x1f: {  	s9 =	smul.u32 $0xF7A, s1;
	s8 =	simm.s32 @!p0 $0x1BF5;
	p2 =	por !p2, p0  }
0x20: {  	[sflag:s8] =	ssyncset.s32 @!p0 $0xFFFFF086;
	s6 =	sadd.s32 @!p0 s3, s7;
	s7 =	simm.s32 @!p0 $0x108  }
0x21: {  	s3 =	sadd.s32 s3, s9;
	s6 =	sadd.s32 @!p0 $0x88, s6;
	s7 =	simm.s32 @p2 $0x1082  }
0x22: {  	[simem:s7], [sflag:s8] =	dma.local @!p0 [hbm:s6], $0xF7A  }
0x23: {  	s9 =	sor.u32 $0xD0000000, s2;
	s6 =	simm.s32 $0x108;
	_ =	swait.ge @!p0 [sflag:s8], $0x0  }
0x24: {  	s3 =	sadd.s32 $0x88, s3;
	s6 =	simm.s32 @!p1 $0x1082;
	[sflag:s4] =	ssyncset.s32 $0xFFFFF086  }
0x25: {  	[simem:s6], [sflag:s4] =	dma.local [hbm:s3], $0xF7A  }
0x26: {  	[smem:$0x3F9D] =	sst s1;
	(tag) =	ssettag s2;
	_ =	strace s9  }
0x27: {  	s1 =	sld [smem:$0x3FAD]  }
0x28: {  	s2 =	sld [smem:$0x3FAE]  }
0x29: {  	s4 =	sld [smem:$0x3FB0]  }
0x2a: {  	p0 =	seq.s32 s5, $0x0;
	s5 =	sld [smem:$0x3FB1]  }
0x2b: {  	s6 =	sld [smem:$0x3FB2]  }
0x2c: {  	s7 =	sld [smem:$0x3FB3]  }
0x2d: {  	s3 =	simm.s32 $0x108;
	s8 =	sld [smem:$0x3FB4]  }
0x2e: {  	s3 =	simm.s32 @!p0 $0x1082;
	s9 =	sld [smem:$0x3FB5]  }
0x2f: {  	lr =	sadd.s32 s0, s3;
	s0 =	sld [smem:$0x3FAC]  }
0x30: {  	s3 =	sld [smem:$0x3FAF]  }
0x31: {  	[smem:$0x3FB8] =	sst s10  }
0x32: {  	s10 =	sld [smem:$0x3FB6];
	_ =	sdelay $0x3  }
0x33: {  	p0 =	seq.s32 s10, $0x1;
	s10 =	sld [smem:$0x3FB8];
	_ =	sdelay $0x3  }
0x34: {  	[smem:$0x3FB8] =	sst s10  }
0x35: {  	s10 =	sld [smem:$0x3FB7];
	_ =	sdelay $0x3  }
0x36: {  	p1 =	seq.s32 s10, $0x1;
	s10 =	sld [smem:$0x3FB8];
	_ =	sdelay $0x3  }
0x37: {  	[smem:$0x3FB8] =	sst s10  }
0x38: {  	s10 =	sld [smem:$0x3FB9]  }
0x39: {  	_ = 	snop;
	(pc) =	sbr.ind lr, $3  }
0x3a: {  	_ = 	snop  }
0x3b: {  	_ = 	snop  }
0x3c: {  	p2 =	seq.s32 s10, $0x1;
	s10 =	sld [smem:$0x3FB8]  }
0x3d: {  	_ =	shalt  }
0x3e: {  	_ =	shalt  }
0x3f: {  	_ =	shalt  }
0x40: {  	_ =	shalt  }
0x41: {  	_ =	shalt  }
0x42: {  	_ =	shalt  }
0x43: {  	_ =	shalt  }
0x44: {  	_ =	shalt  }
0x45: {  	_ =	shalt  }
0x46: {  	_ =	shalt  }
0x47: {  	_ =	shalt  }
0x48: {  	_ =	shalt  }
0x49: {  	_ =	shalt  }
0x4a: {  	_ =	shalt  }
0x4b: {  	_ =	shalt  }
0x4c: {  	_ =	shalt  }
0x4d: {  	_ =	shalt  }
0x4e: {  	_ =	shalt  }
0x4f: {  	_ =	shalt  }
0x50: {  	_ =	shalt  }
0x51: {  	_ =	shalt  }
0x52: {  	_ =	shalt  }
0x53: {  	_ =	shalt  }
0x54: {  	_ =	shalt  }
0x55: {  	_ =	shalt  }
0x56: {  	_ =	shalt  }
0x57: {  	_ =	shalt  }
0x58: {  	_ =	shalt  }
0x59: {  	_ =	shalt  }
0x5a: {  	_ =	shalt  }
0x5b: {  	_ =	shalt  }
0x5c: {  	_ =	shalt  }
0x5d: {  	_ =	shalt  }
0x5e: {  	_ =	shalt  }
0x5f: {  	_ =	shalt  }
0x60: {  	_ =	shalt  }
0x61: {  	_ =	shalt  }
0x62: {  	_ =	shalt  }
0x63: {  	_ =	shalt  }
0x64: {  	_ =	shalt  }
0x65: {  	_ =	shalt  }
0x66: {  	_ =	shalt  }
0x67: {  	_ =	shalt  }
0x68: {  	_ =	shalt  }
0x69: {  	_ =	shalt  }
0x6a: {  	_ =	shalt  }
0x6b: {  	_ =	shalt  }
0x6c: {  	_ =	shalt  }
0x6d: {  	_ =	shalt  }
0x6e: {  	_ =	shalt  }
0x6f: {  	_ =	shalt  }
0x70: {  	_ =	shalt  }
0x71: {  	_ =	shalt  }
0x72: {  	_ =	shalt  }
0x73: {  	_ =	shalt  }
0x74: {  	_ =	shalt  }
0x75: {  	_ =	shalt  }
0x76: {  	_ =	shalt  }
0x77: {  	_ =	shalt  }
0x78: {  	_ =	shalt  }
0x79: {  	_ =	shalt  }
0x7a: {  	_ =	shalt  }
0x7b: {  	_ =	shalt  }
0x7c: {  	_ =	shalt  }
0x7d: {  	_ =	shalt  }
0x7e: {  	_ =	shalt  }
0x7f: {  	_ =	shalt  }
0x80: {  	_ =	shalt  }
0x81: {  	_ =	shalt  }
0x82: {  	_ =	shalt  }
0x83: {  	_ =	shalt  }
0x84: {  	_ =	shalt  }
0x85: {  	_ =	shalt  }
0x86: {  	_ =	shalt  }
0x87: {  	_ =	shalt  }
.Lfunc_end0:
.L_simem_size_0:
called_computation_lowered:
.L_overlay_start_0:
0x88: {  	s2 =	sld [smem:$0x3FD9]  }
0x89: {  	s3 =	sld [smem:$0x3FFE];
	_ =	sdelay $0x1  }
0x8a: {  	s1 =	srdreg.scid  }
0x8b: {  	s0 =	sand.u32 $0x1, s1  }
0x8c: {  	s17 =	sshll.u32 s0, $0xA;
	s2 =	sadd.s32 s3, s2  }
0x8d: {  	s2 =	sadd.s32 s2, s17  }
0x8e: {  	[smem:$0x3FC4] =	sst s2  }
0x8f: {  	_ = 	snop  }
0x90: {  	s2 =	sld [smem:$0x3FD0];
	(tm) =	ssettm $0x1  }
0x91: {  	s18 =	sld [smem:$0x3FFB];
	_ =	sdelay $0x3  }
0x92: {  	_ =	strace s18  }
0x93: {  	s3 =	sld [smem:$0x3FFC];
	_ =	sdelay $0x3  }
0x94: {  	_ =	strace s3  }
0x95: {  	s3 =	sld [smem:$0x3FFD];
	_ =	sdelay $0x3  }
0x96: {  	_ =	strace s3  }
0x97: {  	_ =	strace $0x8FFFFFFF  }
0x98: {  	s19 =	sld [smem:$0x3FDB];
	_ =	sdelay $0x1  }
0x99: {  	s4 =	simm.s32 $_scs_section_size  }
0x9a: {  	s5 =	simm.s32 $_size__tile_overlayer_lowered;
	s6 =	simm.s32 $_tile_overlayer_lowered  }
0x9b: {  	s22 =	simm.s32 $0x1BFF;
	s21 =	sshll.u32 s6, $0x1;
	s3 =	sadd.s32 s4, s19  }
0x9c: {  	s7 =	simm.s32 $0x0;
	s20 =	sshll.u32 s5, $0x1;
	s5 =	sadd.s32 s21, s3  }
0x9d: {  	[timem:s7], [sflag:s22] =	dma.local [hbm:s5], s20  }
0x9e: {  	_ =	swait.ge [sflag:s22], s20  }
0x9f: {  	s4 =	ssub.s32 $0x0, s20;
	[sflag:s22] =	ssyncset.done $0x0  }
0xa0: {  	[sflag:s22] =	ssyncadd.s32 s4;
	_ =	sdelay $0x1  }
0xa1: {  	s23 =	simm.s32 $0x1B8B  }
0xa2: {  	_ =	swait.ge [sflag:s23], $0x1  }
0xa3: {  	[sflag:s23] =	ssyncset.done $0x0  }
0xa4: {  	s25 =	simm.s32 $0x1B8E;
	s24 =	sld [smem:$0x3FFE];
	[sflag:s23] =	ssyncadd.s32 $0xFFFFFFFF  }
0xa5: {  	s26 =	simm.s32 $execute0_lowered;
	[smem:$0x3FD2] =	sst s25  }
0xa6: {  	s5 =	sshll.u32 s26, $0x1;
	_ =	strace $0x80000046;
	[dreg:$0x1] =	wrdreg $0xFFFFFFFF  }
0xa7: {  	s28 =	simm.s32 $_size_execute0_lowered;
	s3 =	sadd.s32 s3, s5;
	[dreg:$0x0] =	wrdreg $0x0  }
0xa8: {  	s5 =	sshll.u32 s28, $0x1;
	[dreg:$0x2] =	wrdreg s3  }
0xa9: {  	[dreg:$0x3] =	wrdreg s5  }
0xaa: {  	[dreg:$0x4] =	wrdreg $0xC0  }
0xab: {  	_ =	task [dreg:s7], $0x5FFFF  }
0xac: {  	[dreg:$0x1] =	wrdreg $0xFFFFFFFF  }
0xad: {  	[dreg:$0x0] =	wrdreg $0x60  }
0xae: {  	[dreg:$0x2] =	wrdreg s24  }
0xaf: {  	[dreg:$0x3] =	wrdreg s2  }
0xb0: {  	[dreg:$0x4] =	wrdreg $0x9  }
0xb1: {  	_ =	task.clear_ibuf [dreg:s7], $0x5FFFF;
	_ =	strace $0x90000046  }
0xb2: {  	s29 =	simm.s32 $0x9;
	_ =	strace $0x80000048  }
0xb3: {  	_ =	swait.ge [sflag:s29], $0x1  }
0xb4: {  	[sflag:s29] =	ssyncadd.s32 $0xFFFFFFFF  }
0xb5: {  	_ =	strace $0x90000048  }
0xb6: {  	_ =	sfence  }
0xb7: {  	s30 =	sld [smem:$0x0];
	_ =	sdelay $0x2  }
0xb8: {  	s31 =	sshll.u32 s1, $0xD;
	s1 =	sshrl.u32 s1, $0x2  }
0xb9: {  	s3 =	sand.u32 $0x4000, s31;
	s1 =	sadd.s32 s1, s30  }
0xba: {  	s0 =	sor.u32 s3, s0;
	s1 =	sshll.u32 s1, $0x11  }
0xbb: {  	s0 =	sor.u32 s1, s0  }
0xbc: {  	s0 =	sadd.s32 $0x8F2B, s0  }
0xbd: {  	[sflag:s0] =	ssyncadd.remote.s32 $0x1  }
0xbe: {  	_ =	sfence.sel $0xFFFF  }
0xbf: {  	[dreg:$0x0] =	wrdreg $0xFFFFFFFF;
	(pc) =	sbr.abs _section_cstart, $3  }
0xc0: {  	[dreg:$0x1] =	wrdreg $0xFFFFFFFF  }
0xc1: {  	_ =	task.clear_ibuf [dreg:s7], $0x2FFFF;
	_ =	strace $0x9FFFFFFF  }
0xc2: {  	(tm) =	ssettm $0x7FFFFFFF  }
0xc3: {  	_ =	shalt  }
tec
execute0_lowered:
.L_overlay_start_1:
0x0: {  	(tag) =	ssettag $0x1  }
0x1: {  	v0 =	vimm.s32 $0x31B  }
0x2: {  	vm14 =	vcmask $0x300;
	vm13 =	vcmask $0x704;
	vm12 =	vcmask $0xB08  }
0x3: {  	vm11 =	vcmask $0xF0C;
	vm10 =	vcmask $0x1310;
	vm9 =	vcmask $0x1714  }
0x4: {  	vm8 =	vcmask $0x1B18;
	vm7 =	vcmask $0x1F1C;
	vm6 =	vcmask $0x2320  }
0x5: {  	vm5 =	vcmask $0x2724;
	vm4 =	vcmask $0x2B28;
	vm3 =	vcmask $0x2F2C  }
0x6: {  	vm2 =	vcmask $0x3330;
	vm1 =	vcmask $0x3734;
	vm0 =	vcmask $0x3B38  }
0x7: {  	v1 =	vimm.s32 $0x31F;
	v2 =	vimm.s32 $0x323;
	v3 =	vimm.s32 $0x327  }
0x8: {  	v4 =	vimm.s32 $0x32B;
	v5 =	vimm.s32 $0x32F;
	v6 =	vimm.s32 $0x333  }
0x9: {  	v7 =	vimm.s32 $0x337;
	v8 =	vimm.s32 $0x33B;
	v9 =	vimm.s32 $0x33F  }
0xa: {  	v10 =	vimm.s32 $0x343;
	v11 =	vimm.s32 $0x347;
	v12 =	vimm.s32 $0x34B  }
0xb: {  	v13 =	vimm.s32 $0x34F;
	v14 =	vimm.s32 $0x353;
	v15 =	vimm.s32 $0x357  }
0xc: {  	v16 =	vimm.s32 $0x35B;
	v17 =	vimm.s32 $0x35F;
	v18 =	vimm.s32 $0x363  }
0xd: {  	v19 =	vimm.s32 $0x367;
	v20 =	vimm.s32 $0x36B;
	v21 =	vimm.s32 $0x36F  }
0xe: {  	v22 =	vimm.s32 $0x373;
	v23 =	vimm.s32 $0x377;
	v24 =	vimm.s32 $0x37B  }
0xf: {  	v25 =	vimm.s32 $0x37F;
	v26 =	vimm.s32 $0x383;
	v27 =	vimm.s32 $0x387  }
0x10: {  	v28 =	vimm.s32 $0x38B;
	v29 =	vimm.s32 $0x38F;
	v30 =	vimm.s32 $0x393  }
0x11: {  	v31 =	vimm.s32 $0x397;
	v32 =	vimm.s32 $0x39B;
	v33 =	vimm.s32 $0x39F  }
0x12: {  	v34 =	vimm.s32 $0x3A3;
	v35 =	vimm.s32 $0x3A7;
	v36 =	vimm.s32 $0x3AB  }
0x13: {  	v37 =	vimm.s32 $0x3AF;
	v38 =	vimm.s32 $0x3B3;
	v39 =	vimm.s32 $0x3B7  }
0x14: {  	v40 =	vimm.s32 $0x3BB;
	v41 =	vimm.s32 $0x3BF;
	v42 =	vimm.s32 $0x3C3  }
0x15: {  	v43 =	vimm.s32 $0x3C7;
	v44 =	vimm.s32 $0x3CB;
	v45 =	vimm.s32 $0x3CF  }
0x16: {  	v46 =	vimm.s32 $0x3D3;
	v47 =	vimm.s32 $0x3D7;
	v48 =	vimm.s32 $0x3DB  }
0x17: {  	v49 =	vimm.s32 $0x3DF;
	v50 =	vimm.s32 $0x3E3;
	v51 =	vimm.s32 $0x3E7  }
0x18: {  	v52 =	vimm.s32 $0x3EB;
	v53 =	vimm.s32 $0x3EF;
	v54 =	vimm.s32 $0x3F3  }
0x19: {  	v55 =	vimm.s32 $0x3F7;
	v56 =	vimm.s32 $0x3FB;
	v57 =	vimm.s32 $0x3FF  }
0x1a: {  	v58 =	vimm.s32 $0x403;
	v59 =	vimm.s32 $0x407;
	v60 =	vimm.s32 $0x40B  }
0x1b: {  	v61 =	vimm.s32 $0x40F;
	v62 =	vimm.s32 $0x413;
	v63 =	vimm.s32 $0x417  }
0x1c: {  	v0 =	vsel vm14, $0x0, v0;
	v1 =	vsel vm14, $0x4, v1;
	v2 =	vsel vm14, $0x8, v2  }
0x1d: {  	v3 =	vsel vm14, $0xC, v3;
	v4 =	vsel vm14, $0x10, v4;
	v5 =	vsel vm14, $0x14, v5  }
0x1e: {  	v6 =	vsel vm14, $0x18, v6;
	v7 =	vsel vm14, $0x1C, v7;
	v8 =	vsel vm14, $0x20, v8  }
0x1f: {  	v9 =	vsel vm14, $0x24, v9;
	v10 =	vsel vm14, $0x28, v10;
	v11 =	vsel vm14, $0x2C, v11  }
0x20: {  	v12 =	vsel vm14, $0x30, v12;
	v13 =	vsel vm14, $0x34, v13;
	v14 =	vsel vm14, $0x38, v14  }
0x21: {  	v15 =	vsel vm14, $0x3C, v15;
	v16 =	vsel vm14, $0x40, v16;
	v17 =	vsel vm14, $0x44, v17  }
0x22: {  	v18 =	vsel vm14, $0x48, v18;
	v19 =	vsel vm14, $0x4C, v19;
	v20 =	vsel vm14, $0x50, v20  }
0x23: {  	v21 =	vsel vm14, $0x54, v21;
	v22 =	vsel vm14, $0x58, v22;
	v23 =	vsel vm14, $0x5C, v23  }
0x24: {  	v24 =	vsel vm14, $0x60, v24;
	v25 =	vsel vm14, $0x64, v25;
	v26 =	vsel vm14, $0x68, v26  }
0x25: {  	v27 =	vsel vm14, $0x6C, v27;
	v28 =	vsel vm14, $0x70, v28;
	v29 =	vsel vm14, $0x74, v29  }
0x26: {  	v30 =	vsel vm14, $0x78, v30;
	v31 =	vsel vm14, $0x7C, v31;
	v32 =	vsel vm14, $0x80, v32  }
0x27: {  	v33 =	vsel vm14, $0x84, v33;
	v34 =	vsel vm14, $0x88, v34;
	v35 =	vsel vm14, $0x8C, v35  }
0x28: {  	v36 =	vsel vm14, $0x90, v36;
	v37 =	vsel vm14, $0x94, v37;
	v38 =	vsel vm14, $0x98, v38  }
0x29: {  	v39 =	vsel vm14, $0x9C, v39;
	v40 =	vsel vm14, $0xA0, v40;
	v41 =	vsel vm14, $0xA4, v41  }
0x2a: {  	v42 =	vsel vm14, $0xA8, v42;
	v43 =	vsel vm14, $0xAC, v43;
	v44 =	vsel vm14, $0xB0, v44  }
0x2b: {  	v45 =	vsel vm14, $0xB4, v45;
	v46 =	vsel vm14, $0xB8, v46;
	v47 =	vsel vm14, $0xBC, v47  }
0x2c: {  	v48 =	vsel vm14, $0xC0, v48;
	v49 =	vsel vm14, $0xC4, v49;
	v50 =	vsel vm14, $0xC8, v50  }
0x2d: {  	v51 =	vsel vm14, $0xCC, v51;
	v52 =	vsel vm14, $0xD0, v52;
	v53 =	vsel vm14, $0xD4, v53  }
0x2e: {  	v54 =	vsel vm14, $0xD8, v54;
	v55 =	vsel vm14, $0xDC, v55;
	v56 =	vsel vm14, $0xE0, v56  }
0x2f: {  	v57 =	vsel vm14, $0xE4, v57;
	v58 =	vsel vm14, $0xE8, v58;
	v59 =	vsel vm14, $0xEC, v59  }
0x30: {  	v60 =	vsel vm14, $0xF0, v60;
	v61 =	vsel vm14, $0xF4, v61;
	v62 =	vsel vm14, $0xF8, v62  }
0x31: {  	v63 =	vsel vm14, $0xFC, v63;
	v0 =	vsel vm13, $0x108, v0;
	v1 =	vsel vm13, $0x10C, v1  }
0x32: {  	v2 =	vsel vm13, $0x110, v2;
	v3 =	vsel vm13, $0x114, v3;
	v4 =	vsel vm13, $0x118, v4  }
0x33: {  	v5 =	vsel vm13, $0x11C, v5;
	v6 =	vsel vm13, $0x120, v6;
	v7 =	vsel vm13, $0x124, v7  }
0x34: {  	v8 =	vsel vm13, $0x128, v8;
	v9 =	vsel vm13, $0x12C, v9;
	v10 =	vsel vm13, $0x130, v10  }
0x35: {  	v11 =	vsel vm13, $0x134, v11;
	v12 =	vsel vm13, $0x138, v12;
	v13 =	vsel vm13, $0x13C, v13  }
0x36: {  	v14 =	vsel vm13, $0x140, v14;
	v15 =	vsel vm13, $0x144, v15;
	v16 =	vsel vm13, $0x148, v16  }
0x37: {  	v17 =	vsel vm13, $0x14C, v17;
	v18 =	vsel vm13, $0x150, v18;
	v19 =	vsel vm13, $0x154, v19  }
0x38: {  	v20 =	vsel vm13, $0x158, v20;
	v21 =	vsel vm13, $0x15C, v21;
	v22 =	vsel vm13, $0x160, v22  }
0x39: {  	v23 =	vsel vm13, $0x164, v23;
	v24 =	vsel vm13, $0x168, v24;
	v25 =	vsel vm13, $0x16C, v25  }
0x3a: {  	v26 =	vsel vm13, $0x170, v26;
	v27 =	vsel vm13, $0x174, v27;
	v28 =	vsel vm13, $0x178, v28  }
0x3b: {  	v29 =	vsel vm13, $0x17C, v29;
	v30 =	vsel vm13, $0x180, v30;
	v31 =	vsel vm13, $0x184, v31  }
0x3c: {  	v32 =	vsel vm13, $0x188, v32;
	v33 =	vsel vm13, $0x18C, v33;
	v34 =	vsel vm13, $0x190, v34  }
0x3d: {  	v35 =	vsel vm13, $0x194, v35;
	v36 =	vsel vm13, $0x198, v36;
	v37 =	vsel vm13, $0x19C, v37  }
0x3e: {  	v38 =	vsel vm13, $0x1A0, v38;
	v39 =	vsel vm13, $0x1A4, v39;
	v40 =	vsel vm13, $0x1A8, v40  }
0x3f: {  	v41 =	vsel vm13, $0x1AC, v41;
	v42 =	vsel vm13, $0x1B0, v42;
	v43 =	vsel vm13, $0x1B4, v43  }
0x40: {  	v44 =	vsel vm13, $0x1B8, v44;
	v45 =	vsel vm13, $0x1BC, v45;
	v46 =	vsel vm13, $0x1C0, v46  }
0x41: {  	v47 =	vsel vm13, $0x1C4, v47;
	v48 =	vsel vm13, $0x1C8, v48;
	v49 =	vsel vm13, $0x1CC, v49  }
0x42: {  	v50 =	vsel vm13, $0x1D0, v50;
	v51 =	vsel vm13, $0x1D4, v51;
	v52 =	vsel vm13, $0x1D8, v52  }
0x43: {  	v53 =	vsel vm13, $0x1DC, v53;
	v54 =	vsel vm13, $0x1E0, v54;
	v55 =	vsel vm13, $0x1E4, v55  }
0x44: {  	v56 =	vsel vm13, $0x1E8, v56;
	v57 =	vsel vm13, $0x1EC, v57;
	v58 =	vsel vm13, $0x1F0, v58  }
0x45: {  	v59 =	vsel vm13, $0x1F4, v59;
	v60 =	vsel vm13, $0x1F8, v60;
	v61 =	vsel vm13, $0x1FC, v61  }
0x46: {  	v62 =	vsel vm13, $0x200, v62;
	v63 =	vsel vm13, $0x204, v63;
	v0 =	vsel vm12, $0x210, v0  }
0x47: {  	v1 =	vsel vm12, $0x214, v1;
	v2 =	vsel vm12, $0x218, v2;
	v3 =	vsel vm12, $0x21C, v3  }
0x48: {  	v4 =	vsel vm12, $0x220, v4;
	v5 =	vsel vm12, $0x224, v5;
	v6 =	vsel vm12, $0x228, v6  }
0x49: {  	v7 =	vsel vm12, $0x22C, v7;
	v8 =	vsel vm12, $0x230, v8;
	v9 =	vsel vm12, $0x234, v9  }
0x4a: {  	v10 =	vsel vm12, $0x238, v10;
	v11 =	vsel vm12, $0x23C, v11;
	v12 =	vsel vm12, $0x240, v12  }
0x4b: {  	v13 =	vsel vm12, $0x244, v13;
	v14 =	vsel vm12, $0x248, v14;
	v15 =	vsel vm12, $0x24C, v15  }
0x4c: {  	v16 =	vsel vm12, $0x250, v16;
	v17 =	vsel vm12, $0x254, v17;
	v18 =	vsel vm12, $0x258, v18  }
0x4d: {  	v19 =	vsel vm12, $0x25C, v19;
	v20 =	vsel vm12, $0x260, v20;
	v21 =	vsel vm12, $0x264, v21  }
0x4e: {  	v22 =	vsel vm12, $0x268, v22;
	v23 =	vsel vm12, $0x26C, v23;
	v24 =	vsel vm12, $0x270, v24  }
0x4f: {  	v25 =	vsel vm12, $0x274, v25;
	v26 =	vsel vm12, $0x278, v26;
	v27 =	vsel vm12, $0x27C, v27  }
0x50: {  	v28 =	vsel vm12, $0x280, v28;
	v29 =	vsel vm12, $0x284, v29;
	v30 =	vsel vm12, $0x288, v30  }
0x51: {  	v31 =	vsel vm12, $0x28C, v31;
	v32 =	vsel vm12, $0x290, v32;
	v33 =	vsel vm12, $0x294, v33  }
0x52: {  	v34 =	vsel vm12, $0x298, v34;
	v35 =	vsel vm12, $0x29C, v35;
	v36 =	vsel vm12, $0x2A0, v36  }
0x53: {  	v37 =	vsel vm12, $0x2A4, v37;
	v38 =	vsel vm12, $0x2A8, v38;
	v39 =	vsel vm12, $0x2AC, v39  }
0x54: {  	v40 =	vsel vm12, $0x2B0, v40;
	v41 =	vsel vm12, $0x2B4, v41;
	v42 =	vsel vm12, $0x2B8, v42  }
0x55: {  	v43 =	vsel vm12, $0x2BC, v43;
	v44 =	vsel vm12, $0x2C0, v44;
	v45 =	vsel vm12, $0x2C4, v45  }
0x56: {  	v46 =	vsel vm12, $0x2C8, v46;
	v47 =	vsel vm12, $0x2CC, v47;
	v48 =	vsel vm12, $0x2D0, v48  }
0x57: {  	v49 =	vsel vm12, $0x2D4, v49;
	v50 =	vsel vm12, $0x2D8, v50;
	v51 =	vsel vm12, $0x2DC, v51  }
0x58: {  	v52 =	vsel vm12, $0x2E0, v52;
	v53 =	vsel vm12, $0x2E4, v53;
	v54 =	vsel vm12, $0x2E8, v54  }
0x59: {  	v55 =	vsel vm12, $0x2EC, v55;
	v56 =	vsel vm12, $0x2F0, v56;
	v57 =	vsel vm12, $0x2F4, v57  }
0x5a: {  	v58 =	vsel vm12, $0x2F8, v58;
	v59 =	vsel vm12, $0x2FC, v59;
	v60 =	vsel vm12, $0x300, v60  }
0x5b: {  	v61 =	vsel vm12, $0x304, v61;
	v62 =	vsel vm12, $0x308, v62;
	v63 =	vsel vm12, $0x30C, v63  }
0x5c: {  	v0 =	vsel vm11, $0x318, v0;
	v1 =	vsel vm11, $0x31C, v1;
	v2 =	vsel vm11, $0x320, v2  }
0x5d: {  	v3 =	vsel vm11, $0x324, v3;
	v4 =	vsel vm11, $0x328, v4;
	v5 =	vsel vm11, $0x32C, v5  }
0x5e: {  	v6 =	vsel vm11, $0x330, v6;
	v7 =	vsel vm11, $0x334, v7;
	v8 =	vsel vm11, $0x338, v8  }
0x5f: {  	v9 =	vsel vm11, $0x33C, v9;
	v10 =	vsel vm11, $0x340, v10;
	v11 =	vsel vm11, $0x344, v11  }
0x60: {  	v12 =	vsel vm11, $0x348, v12;
	v13 =	vsel vm11, $0x34C, v13;
	v14 =	vsel vm11, $0x350, v14  }
0x61: {  	v15 =	vsel vm11, $0x354, v15;
	v16 =	vsel vm11, $0x358, v16;
	v17 =	vsel vm11, $0x35C, v17  }
0x62: {  	v18 =	vsel vm11, $0x360, v18;
	v19 =	vsel vm11, $0x364, v19;
	v20 =	vsel vm11, $0x368, v20  }
0x63: {  	v21 =	vsel vm11, $0x36C, v21;
	v22 =	vsel vm11, $0x370, v22;
	v23 =	vsel vm11, $0x374, v23  }
0x64: {  	v24 =	vsel vm11, $0x378, v24;
	v25 =	vsel vm11, $0x37C, v25;
	v26 =	vsel vm11, $0x380, v26  }
0x65: {  	v27 =	vsel vm11, $0x384, v27;
	v28 =	vsel vm11, $0x388, v28;
	v29 =	vsel vm11, $0x38C, v29  }
0x66: {  	v30 =	vsel vm11, $0x390, v30;
	v31 =	vsel vm11, $0x394, v31;
	v32 =	vsel vm11, $0x398, v32  }
0x67: {  	v33 =	vsel vm11, $0x39C, v33;
	v34 =	vsel vm11, $0x3A0, v34;
	v35 =	vsel vm11, $0x3A4, v35  }
0x68: {  	v36 =	vsel vm11, $0x3A8, v36;
	v37 =	vsel vm11, $0x3AC, v37;
	v38 =	vsel vm11, $0x3B0, v38  }
0x69: {  	v39 =	vsel vm11, $0x3B4, v39;
	v40 =	vsel vm11, $0x3B8, v40;
	v41 =	vsel vm11, $0x3BC, v41  }
0x6a: {  	v42 =	vsel vm11, $0x3C0, v42;
	v43 =	vsel vm11, $0x3C4, v43;
	v44 =	vsel vm11, $0x3C8, v44  }
0x6b: {  	v45 =	vsel vm11, $0x3CC, v45;
	v46 =	vsel vm11, $0x3D0, v46;
	v47 =	vsel vm11, $0x3D4, v47  }
0x6c: {  	v48 =	vsel vm11, $0x3D8, v48;
	v49 =	vsel vm11, $0x3DC, v49;
	v50 =	vsel vm11, $0x3E0, v50  }
0x6d: {  	v51 =	vsel vm11, $0x3E4, v51;
	v52 =	vsel vm11, $0x3E8, v52;
	v53 =	vsel vm11, $0x3EC, v53  }
0x6e: {  	v54 =	vsel vm11, $0x3F0, v54;
	v55 =	vsel vm11, $0x3F4, v55;
	v56 =	vsel vm11, $0x3F8, v56  }
0x6f: {  	v57 =	vsel vm11, $0x3FC, v57;
	v58 =	vsel vm11, $0x400, v58;
	v59 =	vsel vm11, $0x404, v59  }
0x70: {  	v60 =	vsel vm11, $0x408, v60;
	v61 =	vsel vm11, $0x40C, v61;
	v62 =	vsel vm11, $0x410, v62  }
0x71: {  	v63 =	vsel vm11, $0x414, v63;
	v0 =	vsel vm10, $0x1, v0;
	v1 =	vsel vm10, $0x5, v1  }
0x72: {  	v2 =	vsel vm10, $0x9, v2;
	v3 =	vsel vm10, $0xD, v3;
	v4 =	vsel vm10, $0x11, v4  }
0x73: {  	v5 =	vsel vm10, $0x15, v5;
	v6 =	vsel vm10, $0x19, v6;
	v7 =	vsel vm10, $0x1D, v7  }
0x74: {  	v8 =	vsel vm10, $0x21, v8;
	v9 =	vsel vm10, $0x25, v9;
	v10 =	vsel vm10, $0x29, v10  }
0x75: {  	v11 =	vsel vm10, $0x2D, v11;
	v12 =	vsel vm10, $0x31, v12;
	v13 =	vsel vm10, $0x35, v13  }
0x76: {  	v14 =	vsel vm10, $0x39, v14;
	v15 =	vsel vm10, $0x3D, v15;
	v16 =	vsel vm10, $0x41, v16  }
0x77: {  	v17 =	vsel vm10, $0x45, v17;
	v18 =	vsel vm10, $0x49, v18;
	v19 =	vsel vm10, $0x4D, v19  }
0x78: {  	v20 =	vsel vm10, $0x51, v20;
	v21 =	vsel vm10, $0x55, v21;
	v22 =	vsel vm10, $0x59, v22  }
0x79: {  	v23 =	vsel vm10, $0x5D, v23;
	v24 =	vsel vm10, $0x61, v24;
	v25 =	vsel vm10, $0x65, v25  }
0x7a: {  	v26 =	vsel vm10, $0x69, v26;
	v27 =	vsel vm10, $0x6D, v27;
	v28 =	vsel vm10, $0x71, v28  }
0x7b: {  	v29 =	vsel vm10, $0x75, v29;
	v30 =	vsel vm10, $0x79, v30;
	v31 =	vsel vm10, $0x7D, v31  }
0x7c: {  	v32 =	vsel vm10, $0x81, v32;
	v33 =	vsel vm10, $0x85, v33;
	v34 =	vsel vm10, $0x89, v34  }
0x7d: {  	v35 =	vsel vm10, $0x8D, v35;
	v36 =	vsel vm10, $0x91, v36;
	v37 =	vsel vm10, $0x95, v37  }
0x7e: {  	v38 =	vsel vm10, $0x99, v38;
	v39 =	vsel vm10, $0x9D, v39;
	v40 =	vsel vm10, $0xA1, v40  }
0x7f: {  	v41 =	vsel vm10, $0xA5, v41;
	v42 =	vsel vm10, $0xA9, v42;
	v43 =	vsel vm10, $0xAD, v43  }
0x80: {  	v44 =	vsel vm10, $0xB1, v44;
	v45 =	vsel vm10, $0xB5, v45;
	v46 =	vsel vm10, $0xB9, v46  }
0x81: {  	v47 =	vsel vm10, $0xBD, v47;
	v48 =	vsel vm10, $0xC1, v48;
	v49 =	vsel vm10, $0xC5, v49  }
0x82: {  	v50 =	vsel vm10, $0xC9, v50;
	v51 =	vsel vm10, $0xCD, v51;
	v52 =	vsel vm10, $0xD1, v52  }
0x83: {  	v53 =	vsel vm10, $0xD5, v53;
	v54 =	vsel vm10, $0xD9, v54;
	v55 =	vsel vm10, $0xDD, v55  }
0x84: {  	v56 =	vsel vm10, $0xE1, v56;
	v57 =	vsel vm10, $0xE5, v57;
	v58 =	vsel vm10, $0xE9, v58  }
0x85: {  	v59 =	vsel vm10, $0xED, v59;
	v60 =	vsel vm10, $0xF1, v60;
	v61 =	vsel vm10, $0xF5, v61  }
0x86: {  	v62 =	vsel vm10, $0xF9, v62;
	v63 =	vsel vm10, $0xFD, v63;
	v0 =	vsel vm9, $0x109, v0  }
0x87: {  	v1 =	vsel vm9, $0x10D, v1;
	v2 =	vsel vm9, $0x111, v2;
	v3 =	vsel vm9, $0x115, v3  }
0x88: {  	v4 =	vsel vm9, $0x119, v4;
	v5 =	vsel vm9, $0x11D, v5;
	v6 =	vsel vm9, $0x121, v6  }
0x89: {  	v7 =	vsel vm9, $0x125, v7;
	v8 =	vsel vm9, $0x129, v8;
	v9 =	vsel vm9, $0x12D, v9  }
0x8a: {  	v10 =	vsel vm9, $0x131, v10;
	v11 =	vsel vm9, $0x135, v11;
	v12 =	vsel vm9, $0x139, v12  }
0x8b: {  	v13 =	vsel vm9, $0x13D, v13;
	v14 =	vsel vm9, $0x141, v14;
	v15 =	vsel vm9, $0x145, v15  }
0x8c: {  	v16 =	vsel vm9, $0x149, v16;
	v17 =	vsel vm9, $0x14D, v17;
	v18 =	vsel vm9, $0x151, v18  }
0x8d: {  	v19 =	vsel vm9, $0x155, v19;
	v20 =	vsel vm9, $0x159, v20;
	v21 =	vsel vm9, $0x15D, v21  }
0x8e: {  	v22 =	vsel vm9, $0x161, v22;
	v23 =	vsel vm9, $0x165, v23;
	v24 =	vsel vm9, $0x169, v24  }
0x8f: {  	v25 =	vsel vm9, $0x16D, v25;
	v26 =	vsel vm9, $0x171, v26;
	v27 =	vsel vm9, $0x175, v27  }
0x90: {  	v28 =	vsel vm9, $0x179, v28;
	v29 =	vsel vm9, $0x17D, v29;
	v30 =	vsel vm9, $0x181, v30  }
0x91: {  	v31 =	vsel vm9, $0x185, v31;
	v32 =	vsel vm9, $0x189, v32;
	v33 =	vsel vm9, $0x18D, v33  }
0x92: {  	v34 =	vsel vm9, $0x191, v34;
	v35 =	vsel vm9, $0x195, v35;
	v36 =	vsel vm9, $0x199, v36  }
0x93: {  	v37 =	vsel vm9, $0x19D, v37;
	v38 =	vsel vm9, $0x1A1, v38;
	v39 =	vsel vm9, $0x1A5, v39  }
0x94: {  	v40 =	vsel vm9, $0x1A9, v40;
	v41 =	vsel vm9, $0x1AD, v41;
	v42 =	vsel vm9, $0x1B1, v42  }
0x95: {  	v43 =	vsel vm9, $0x1B5, v43;
	v44 =	vsel vm9, $0x1B9, v44;
	v45 =	vsel vm9, $0x1BD, v45  }
0x96: {  	v46 =	vsel vm9, $0x1C1, v46;
	v47 =	vsel vm9, $0x1C5, v47;
	v48 =	vsel vm9, $0x1C9, v48  }
0x97: {  	v49 =	vsel vm9, $0x1CD, v49;
	v50 =	vsel vm9, $0x1D1, v50;
	v51 =	vsel vm9, $0x1D5, v51  }
0x98: {  	v52 =	vsel vm9, $0x1D9, v52;
	v53 =	vsel vm9, $0x1DD, v53;
	v54 =	vsel vm9, $0x1E1, v54  }
0x99: {  	v55 =	vsel vm9, $0x1E5, v55;
	v56 =	vsel vm9, $0x1E9, v56;
	v57 =	vsel vm9, $0x1ED, v57  }
0x9a: {  	v58 =	vsel vm9, $0x1F1, v58;
	v59 =	vsel vm9, $0x1F5, v59;
	v60 =	vsel vm9, $0x1F9, v60  }
0x9b: {  	v61 =	vsel vm9, $0x1FD, v61;
	v62 =	vsel vm9, $0x201, v62;
	v63 =	vsel vm9, $0x205, v63  }
0x9c: {  	v0 =	vsel vm8, $0x211, v0;
	v1 =	vsel vm8, $0x215, v1;
	v2 =	vsel vm8, $0x219, v2  }
0x9d: {  	v3 =	vsel vm8, $0x21D, v3;
	v4 =	vsel vm8, $0x221, v4;
	v5 =	vsel vm8, $0x225, v5  }
0x9e: {  	v6 =	vsel vm8, $0x229, v6;
	v7 =	vsel vm8, $0x22D, v7;
	v8 =	vsel vm8, $0x231, v8  }
0x9f: {  	v9 =	vsel vm8, $0x235, v9;
	v10 =	vsel vm8, $0x239, v10;
	v11 =	vsel vm8, $0x23D, v11  }
0xa0: {  	v12 =	vsel vm8, $0x241, v12;
	v13 =	vsel vm8, $0x245, v13;
	v14 =	vsel vm8, $0x249, v14  }
0xa1: {  	v15 =	vsel vm8, $0x24D, v15;
	v16 =	vsel vm8, $0x251, v16;
	v17 =	vsel vm8, $0x255, v17  }
0xa2: {  	v18 =	vsel vm8, $0x259, v18;
	v19 =	vsel vm8, $0x25D, v19;
	v20 =	vsel vm8, $0x261, v20  }
0xa3: {  	v21 =	vsel vm8, $0x265, v21;
	v22 =	vsel vm8, $0x269, v22;
	v23 =	vsel vm8, $0x26D, v23  }
0xa4: {  	v24 =	vsel vm8, $0x271, v24;
	v25 =	vsel vm8, $0x275, v25;
	v26 =	vsel vm8, $0x279, v26  }
0xa5: {  	v27 =	vsel vm8, $0x27D, v27;
	v28 =	vsel vm8, $0x281, v28;
	v29 =	vsel vm8, $0x285, v29  }
0xa6: {  	v30 =	vsel vm8, $0x289, v30;
	v31 =	vsel vm8, $0x28D, v31;
	v32 =	vsel vm8, $0x291, v32  }
0xa7: {  	v33 =	vsel vm8, $0x295, v33;
	v34 =	vsel vm8, $0x299, v34;
	v35 =	vsel vm8, $0x29D, v35  }
0xa8: {  	v36 =	vsel vm8, $0x2A1, v36;
	v37 =	vsel vm8, $0x2A5, v37;
	v38 =	vsel vm8, $0x2A9, v38  }
0xa9: {  	v39 =	vsel vm8, $0x2AD, v39;
	v40 =	vsel vm8, $0x2B1, v40;
	v41 =	vsel vm8, $0x2B5, v41  }
0xaa: {  	v42 =	vsel vm8, $0x2B9, v42;
	v43 =	vsel vm8, $0x2BD, v43;
	v44 =	vsel vm8, $0x2C1, v44  }
0xab: {  	v45 =	vsel vm8, $0x2C5, v45;
	v46 =	vsel vm8, $0x2C9, v46;
	v47 =	vsel vm8, $0x2CD, v47  }
0xac: {  	v48 =	vsel vm8, $0x2D1, v48;
	v49 =	vsel vm8, $0x2D5, v49;
	v50 =	vsel vm8, $0x2D9, v50  }
0xad: {  	v51 =	vsel vm8, $0x2DD, v51;
	v52 =	vsel vm8, $0x2E1, v52;
	v53 =	vsel vm8, $0x2E5, v53  }
0xae: {  	v54 =	vsel vm8, $0x2E9, v54;
	v55 =	vsel vm8, $0x2ED, v55;
	v56 =	vsel vm8, $0x2F1, v56  }
0xaf: {  	v57 =	vsel vm8, $0x2F5, v57;
	v58 =	vsel vm8, $0x2F9, v58;
	v59 =	vsel vm8, $0x2FD, v59  }
0xb0: {  	v60 =	vsel vm8, $0x301, v60;
	v61 =	vsel vm8, $0x305, v61;
	v62 =	vsel vm8, $0x309, v62  }
0xb1: {  	v63 =	vsel vm8, $0x30D, v63;
	v0 =	vsel vm7, $0x319, v0;
	v1 =	vsel vm7, $0x31D, v1  }
0xb2: {  	v2 =	vsel vm7, $0x321, v2;
	v3 =	vsel vm7, $0x325, v3;
	v4 =	vsel vm7, $0x329, v4  }
0xb3: {  	v5 =	vsel vm7, $0x32D, v5;
	v6 =	vsel vm7, $0x331, v6;
	v7 =	vsel vm7, $0x335, v7  }
0xb4: {  	v8 =	vsel vm7, $0x339, v8;
	v9 =	vsel vm7, $0x33D, v9;
	v10 =	vsel vm7, $0x341, v10  }
0xb5: {  	v11 =	vsel vm7, $0x345, v11;
	v12 =	vsel vm7, $0x349, v12;
	v13 =	vsel vm7, $0x34D, v13  }
0xb6: {  	v14 =	vsel vm7, $0x351, v14;
	v15 =	vsel vm7, $0x355, v15;
	v16 =	vsel vm7, $0x359, v16  }
0xb7: {  	v17 =	vsel vm7, $0x35D, v17;
	v18 =	vsel vm7, $0x361, v18;
	v19 =	vsel vm7, $0x365, v19  }
0xb8: {  	v20 =	vsel vm7, $0x369, v20;
	v21 =	vsel vm7, $0x36D, v21;
	v22 =	vsel vm7, $0x371, v22  }
0xb9: {  	v23 =	vsel vm7, $0x375, v23;
	v24 =	vsel vm7, $0x379, v24;
	v25 =	vsel vm7, $0x37D, v25  }
0xba: {  	v26 =	vsel vm7, $0x381, v26;
	v27 =	vsel vm7, $0x385, v27;
	v28 =	vsel vm7, $0x389, v28  }
0xbb: {  	v29 =	vsel vm7, $0x38D, v29;
	v30 =	vsel vm7, $0x391, v30;
	v31 =	vsel vm7, $0x395, v31  }
0xbc: {  	v32 =	vsel vm7, $0x399, v32;
	v33 =	vsel vm7, $0x39D, v33;
	v34 =	vsel vm7, $0x3A1, v34  }
0xbd: {  	v35 =	vsel vm7, $0x3A5, v35;
	v36 =	vsel vm7, $0x3A9, v36;
	v37 =	vsel vm7, $0x3AD, v37  }
0xbe: {  	v38 =	vsel vm7, $0x3B1, v38;
	v39 =	vsel vm7, $0x3B5, v39;
	v40 =	vsel vm7, $0x3B9, v40  }
0xbf: {  	v41 =	vsel vm7, $0x3BD, v41;
	v42 =	vsel vm7, $0x3C1, v42;
	v43 =	vsel vm7, $0x3C5, v43  }
0xc0: {  	v44 =	vsel vm7, $0x3C9, v44;
	v45 =	vsel vm7, $0x3CD, v45;
	v46 =	vsel vm7, $0x3D1, v46  }
0xc1: {  	v47 =	vsel vm7, $0x3D5, v47;
	v48 =	vsel vm7, $0x3D9, v48;
	v49 =	vsel vm7, $0x3DD, v49  }
0xc2: {  	v50 =	vsel vm7, $0x3E1, v50;
	v51 =	vsel vm7, $0x3E5, v51;
	v52 =	vsel vm7, $0x3E9, v52  }
0xc3: {  	v53 =	vsel vm7, $0x3ED, v53;
	v54 =	vsel vm7, $0x3F1, v54;
	v55 =	vsel vm7, $0x3F5, v55  }
0xc4: {  	v56 =	vsel vm7, $0x3F9, v56;
	v57 =	vsel vm7, $0x3FD, v57;
	v58 =	vsel vm7, $0x401, v58  }
0xc5: {  	v59 =	vsel vm7, $0x405, v59;
	v60 =	vsel vm7, $0x409, v60;
	v61 =	vsel vm7, $0x40D, v61  }
0xc6: {  	v62 =	vsel vm7, $0x411, v62;
	v63 =	vsel vm7, $0x415, v63;
	v0 =	vsel vm6, $0x2, v0  }
0xc7: {  	v1 =	vsel vm6, $0x6, v1;
	v2 =	vsel vm6, $0xA, v2;
	v3 =	vsel vm6, $0xE, v3  }
0xc8: {  	v4 =	vsel vm6, $0x12, v4;
	v5 =	vsel vm6, $0x16, v5;
	v6 =	vsel vm6, $0x1A, v6  }
0xc9: {  	v7 =	vsel vm6, $0x1E, v7;
	v8 =	vsel vm6, $0x22, v8;
	v9 =	vsel vm6, $0x26, v9  }
0xca: {  	v10 =	vsel vm6, $0x2A, v10;
	v11 =	vsel vm6, $0x2E, v11;
	v12 =	vsel vm6, $0x32, v12  }
0xcb: {  	v13 =	vsel vm6, $0x36, v13;
	v14 =	vsel vm6, $0x3A, v14;
	v15 =	vsel vm6, $0x3E, v15  }
0xcc: {  	v16 =	vsel vm6, $0x42, v16;
	v17 =	vsel vm6, $0x46, v17;
	v18 =	vsel vm6, $0x4A, v18  }
0xcd: {  	v19 =	vsel vm6, $0x4E, v19;
	v20 =	vsel vm6, $0x52, v20;
	v21 =	vsel vm6, $0x56, v21  }
0xce: {  	v22 =	vsel vm6, $0x5A, v22;
	v23 =	vsel vm6, $0x5E, v23;
	v24 =	vsel vm6, $0x62, v24  }
0xcf: {  	v25 =	vsel vm6, $0x66, v25;
	v26 =	vsel vm6, $0x6A, v26;
	v27 =	vsel vm6, $0x6E, v27  }
0xd0: {  	v28 =	vsel vm6, $0x72, v28;
	v29 =	vsel vm6, $0x76, v29;
	v30 =	vsel vm6, $0x7A, v30  }
0xd1: {  	v31 =	vsel vm6, $0x7E, v31;
	v32 =	vsel vm6, $0x82, v32;
	v33 =	vsel vm6, $0x86, v33  }
0xd2: {  	v34 =	vsel vm6, $0x8A, v34;
	v35 =	vsel vm6, $0x8E, v35;
	v36 =	vsel vm6, $0x92, v36  }
0xd3: {  	v37 =	vsel vm6, $0x96, v37;
	v38 =	vsel vm6, $0x9A, v38;
	v39 =	vsel vm6, $0x9E, v39  }
0xd4: {  	v40 =	vsel vm6, $0xA2, v40;
	v41 =	vsel vm6, $0xA6, v41;
	v42 =	vsel vm6, $0xAA, v42  }
0xd5: {  	v43 =	vsel vm6, $0xAE, v43;
	v44 =	vsel vm6, $0xB2, v44;
	v45 =	vsel vm6, $0xB6, v45  }
0xd6: {  	v46 =	vsel vm6, $0xBA, v46;
	v47 =	vsel vm6, $0xBE, v47;
	v48 =	vsel vm6, $0xC2, v48  }
0xd7: {  	v49 =	vsel vm6, $0xC6, v49;
	v50 =	vsel vm6, $0xCA, v50;
	v51 =	vsel vm6, $0xCE, v51  }
0xd8: {  	v52 =	vsel vm6, $0xD2, v52;
	v53 =	vsel vm6, $0xD6, v53;
	v54 =	vsel vm6, $0xDA, v54  }
0xd9: {  	v55 =	vsel vm6, $0xDE, v55;
	v56 =	vsel vm6, $0xE2, v56;
	v57 =	vsel vm6, $0xE6, v57  }
0xda: {  	v58 =	vsel vm6, $0xEA, v58;
	v59 =	vsel vm6, $0xEE, v59;
	v60 =	vsel vm6, $0xF2, v60  }
0xdb: {  	v61 =	vsel vm6, $0xF6, v61;
	v62 =	vsel vm6, $0xFA, v62;
	v63 =	vsel vm6, $0xFE, v63  }
0xdc: {  	v0 =	vsel vm5, $0x10A, v0;
	v1 =	vsel vm5, $0x10E, v1;
	v2 =	vsel vm5, $0x112, v2  }
0xdd: {  	v3 =	vsel vm5, $0x116, v3;
	v4 =	vsel vm5, $0x11A, v4;
	v5 =	vsel vm5, $0x11E, v5  }
0xde: {  	v6 =	vsel vm5, $0x122, v6;
	v7 =	vsel vm5, $0x126, v7;
	v8 =	vsel vm5, $0x12A, v8  }
0xdf: {  	v9 =	vsel vm5, $0x12E, v9;
	v10 =	vsel vm5, $0x132, v10;
	v11 =	vsel vm5, $0x136, v11  }
0xe0: {  	v12 =	vsel vm5, $0x13A, v12;
	v13 =	vsel vm5, $0x13E, v13;
	v14 =	vsel vm5, $0x142, v14  }
0xe1: {  	v15 =	vsel vm5, $0x146, v15;
	v16 =	vsel vm5, $0x14A, v16;
	v17 =	vsel vm5, $0x14E, v17  }
0xe2: {  	v18 =	vsel vm5, $0x152, v18;
	v19 =	vsel vm5, $0x156, v19;
	v20 =	vsel vm5, $0x15A, v20  }
0xe3: {  	v21 =	vsel vm5, $0x15E, v21;
	v22 =	vsel vm5, $0x162, v22;
	v23 =	vsel vm5, $0x166, v23  }
0xe4: {  	v24 =	vsel vm5, $0x16A, v24;
	v25 =	vsel vm5, $0x16E, v25;
	v26 =	vsel vm5, $0x172, v26  }
0xe5: {  	v27 =	vsel vm5, $0x176, v27;
	v28 =	vsel vm5, $0x17A, v28;
	v29 =	vsel vm5, $0x17E, v29  }
0xe6: {  	v30 =	vsel vm5, $0x182, v30;
	v31 =	vsel vm5, $0x186, v31;
	v32 =	vsel vm5, $0x18A, v32  }
0xe7: {  	v33 =	vsel vm5, $0x18E, v33;
	v34 =	vsel vm5, $0x192, v34;
	v35 =	vsel vm5, $0x196, v35  }
0xe8: {  	v36 =	vsel vm5, $0x19A, v36;
	v37 =	vsel vm5, $0x19E, v37;
	v38 =	vsel vm5, $0x1A2, v38  }
0xe9: {  	v39 =	vsel vm5, $0x1A6, v39;
	v40 =	vsel vm5, $0x1AA, v40;
	v41 =	vsel vm5, $0x1AE, v41  }
0xea: {  	v42 =	vsel vm5, $0x1B2, v42;
	v43 =	vsel vm5, $0x1B6, v43;
	v44 =	vsel vm5, $0x1BA, v44  }
0xeb: {  	v45 =	vsel vm5, $0x1BE, v45;
	v46 =	vsel vm5, $0x1C2, v46;
	v47 =	vsel vm5, $0x1C6, v47  }
0xec: {  	v48 =	vsel vm5, $0x1CA, v48;
	v49 =	vsel vm5, $0x1CE, v49;
	v50 =	vsel vm5, $0x1D2, v50  }
0xed: {  	v51 =	vsel vm5, $0x1D6, v51;
	v52 =	vsel vm5, $0x1DA, v52;
	v53 =	vsel vm5, $0x1DE, v53  }
0xee: {  	v54 =	vsel vm5, $0x1E2, v54;
	v55 =	vsel vm5, $0x1E6, v55;
	v56 =	vsel vm5, $0x1EA, v56  }
0xef: {  	v57 =	vsel vm5, $0x1EE, v57;
	v58 =	vsel vm5, $0x1F2, v58;
	v59 =	vsel vm5, $0x1F6, v59  }
0xf0: {  	v60 =	vsel vm5, $0x1FA, v60;
	v61 =	vsel vm5, $0x1FE, v61;
	v62 =	vsel vm5, $0x202, v62  }
0xf1: {  	v63 =	vsel vm5, $0x206, v63;
	v0 =	vsel vm4, $0x212, v0;
	v1 =	vsel vm4, $0x216, v1  }
0xf2: {  	v2 =	vsel vm4, $0x21A, v2;
	v3 =	vsel vm4, $0x21E, v3;
	v4 =	vsel vm4, $0x222, v4  }
0xf3: {  	v5 =	vsel vm4, $0x226, v5;
	v6 =	vsel vm4, $0x22A, v6;
	v7 =	vsel vm4, $0x22E, v7  }
0xf4: {  	v8 =	vsel vm4, $0x232, v8;
	v9 =	vsel vm4, $0x236, v9;
	v10 =	vsel vm4, $0x23A, v10  }
0xf5: {  	v11 =	vsel vm4, $0x23E, v11;
	v12 =	vsel vm4, $0x242, v12;
	v13 =	vsel vm4, $0x246, v13  }
0xf6: {  	v14 =	vsel vm4, $0x24A, v14;
	v15 =	vsel vm4, $0x24E, v15;
	v16 =	vsel vm4, $0x252, v16  }
0xf7: {  	v17 =	vsel vm4, $0x256, v17;
	v18 =	vsel vm4, $0x25A, v18;
	v19 =	vsel vm4, $0x25E, v19  }
0xf8: {  	v20 =	vsel vm4, $0x262, v20;
	v21 =	vsel vm4, $0x266, v21;
	v22 =	vsel vm4, $0x26A, v22  }
0xf9: {  	v23 =	vsel vm4, $0x26E, v23;
	v24 =	vsel vm4, $0x272, v24;
	v25 =	vsel vm4, $0x276, v25  }
0xfa: {  	v26 =	vsel vm4, $0x27A, v26;
	v27 =	vsel vm4, $0x27E, v27;
	v28 =	vsel vm4, $0x282, v28  }
0xfb: {  	v29 =	vsel vm4, $0x286, v29;
	v30 =	vsel vm4, $0x28A, v30;
	v31 =	vsel vm4, $0x28E, v31  }
0xfc: {  	v32 =	vsel vm4, $0x292, v32;
	v33 =	vsel vm4, $0x296, v33;
	v34 =	vsel vm4, $0x29A, v34  }
0xfd: {  	v35 =	vsel vm4, $0x29E, v35;
	v36 =	vsel vm4, $0x2A2, v36;
	v37 =	vsel vm4, $0x2A6, v37  }
0xfe: {  	v38 =	vsel vm4, $0x2AA, v38;
	v39 =	vsel vm4, $0x2AE, v39;
	v40 =	vsel vm4, $0x2B2, v40  }
0xff: {  	v41 =	vsel vm4, $0x2B6, v41;
	v42 =	vsel vm4, $0x2BA, v42;
	v43 =	vsel vm4, $0x2BE, v43  }
0x100: {  	v44 =	vsel vm4, $0x2C2, v44;
	v45 =	vsel vm4, $0x2C6, v45;
	v46 =	vsel vm4, $0x2CA, v46  }
0x101: {  	v47 =	vsel vm4, $0x2CE, v47;
	v48 =	vsel vm4, $0x2D2, v48;
	v49 =	vsel vm4, $0x2D6, v49  }
0x102: {  	v50 =	vsel vm4, $0x2DA, v50;
	v51 =	vsel vm4, $0x2DE, v51;
	v52 =	vsel vm4, $0x2E2, v52  }
0x103: {  	v53 =	vsel vm4, $0x2E6, v53;
	v54 =	vsel vm4, $0x2EA, v54;
	v55 =	vsel vm4, $0x2EE, v55  }
0x104: {  	v56 =	vsel vm4, $0x2F2, v56;
	v57 =	vsel vm4, $0x2F6, v57;
	v58 =	vsel vm4, $0x2FA, v58  }
0x105: {  	v59 =	vsel vm4, $0x2FE, v59;
	v60 =	vsel vm4, $0x302, v60;
	v61 =	vsel vm4, $0x306, v61  }
0x106: {  	v62 =	vsel vm4, $0x30A, v62;
	v63 =	vsel vm4, $0x30E, v63;
	v0 =	vsel vm3, $0x31A, v0  }
0x107: {  	v1 =	vsel vm3, $0x31E, v1;
	v2 =	vsel vm3, $0x322, v2;
	v3 =	vsel vm3, $0x326, v3  }
0x108: {  	v4 =	vsel vm3, $0x32A, v4;
	v5 =	vsel vm3, $0x32E, v5;
	v6 =	vsel vm3, $0x332, v6  }
0x109: {  	v7 =	vsel vm3, $0x336, v7;
	v8 =	vsel vm3, $0x33A, v8;
	v9 =	vsel vm3, $0x33E, v9  }
0x10a: {  	v10 =	vsel vm3, $0x342, v10;
	v11 =	vsel vm3, $0x346, v11;
	v12 =	vsel vm3, $0x34A, v12  }
0x10b: {  	v13 =	vsel vm3, $0x34E, v13;
	v14 =	vsel vm3, $0x352, v14;
	v15 =	vsel vm3, $0x356, v15  }
0x10c: {  	v16 =	vsel vm3, $0x35A, v16;
	v17 =	vsel vm3, $0x35E, v17;
	v18 =	vsel vm3, $0x362, v18  }
0x10d: {  	v19 =	vsel vm3, $0x366, v19;
	v20 =	vsel vm3, $0x36A, v20;
	v21 =	vsel vm3, $0x36E, v21  }
0x10e: {  	v22 =	vsel vm3, $0x372, v22;
	v23 =	vsel vm3, $0x376, v23;
	v24 =	vsel vm3, $0x37A, v24  }
0x10f: {  	v25 =	vsel vm3, $0x37E, v25;
	v26 =	vsel vm3, $0x382, v26;
	v27 =	vsel vm3, $0x386, v27  }
0x110: {  	v28 =	vsel vm3, $0x38A, v28;
	v29 =	vsel vm3, $0x38E, v29;
	v30 =	vsel vm3, $0x392, v30  }
0x111: {  	v31 =	vsel vm3, $0x396, v31;
	v32 =	vsel vm3, $0x39A, v32;
	v33 =	vsel vm3, $0x39E, v33  }
0x112: {  	v34 =	vsel vm3, $0x3A2, v34;
	v35 =	vsel vm3, $0x3A6, v35;
	v36 =	vsel vm3, $0x3AA, v36  }
0x113: {  	v37 =	vsel vm3, $0x3AE, v37;
	v38 =	vsel vm3, $0x3B2, v38;
	v39 =	vsel vm3, $0x3B6, v39  }
0x114: {  	v40 =	vsel vm3, $0x3BA, v40;
	v41 =	vsel vm3, $0x3BE, v41;
	v42 =	vsel vm3, $0x3C2, v42  }
0x115: {  	v43 =	vsel vm3, $0x3C6, v43;
	v44 =	vsel vm3, $0x3CA, v44;
	v45 =	vsel vm3, $0x3CE, v45  }
0x116: {  	v46 =	vsel vm3, $0x3D2, v46;
	v47 =	vsel vm3, $0x3D6, v47;
	v48 =	vsel vm3, $0x3DA, v48  }
0x117: {  	v49 =	vsel vm3, $0x3DE, v49;
	v50 =	vsel vm3, $0x3E2, v50;
	v51 =	vsel vm3, $0x3E6, v51  }
0x118: {  	v52 =	vsel vm3, $0x3EA, v52;
	v53 =	vsel vm3, $0x3EE, v53;
	v54 =	vsel vm3, $0x3F2, v54  }
0x119: {  	v55 =	vsel vm3, $0x3F6, v55;
	v56 =	vsel vm3, $0x3FA, v56;
	v57 =	vsel vm3, $0x3FE, v57  }
0x11a: {  	v58 =	vsel vm3, $0x402, v58;
	v59 =	vsel vm3, $0x406, v59;
	v60 =	vsel vm3, $0x40A, v60  }
0x11b: {  	v61 =	vsel vm3, $0x40E, v61;
	v62 =	vsel vm3, $0x412, v62;
	v63 =	vsel vm3, $0x416, v63  }
0x11c: {  	v0 =	vsel vm2, $0x3, v0;
	v1 =	vsel vm2, $0x7, v1;
	v2 =	vsel vm2, $0xB, v2  }
0x11d: {  	v3 =	vsel vm2, $0xF, v3;
	v4 =	vsel vm2, $0x13, v4;
	v5 =	vsel vm2, $0x17, v5  }
0x11e: {  	v6 =	vsel vm2, $0x1B, v6;
	v7 =	vsel vm2, $0x1F, v7;
	v8 =	vsel vm2, $0x23, v8  }
0x11f: {  	v9 =	vsel vm2, $0x27, v9;
	v10 =	vsel vm2, $0x2B, v10;
	v11 =	vsel vm2, $0x2F, v11  }
0x120: {  	v12 =	vsel vm2, $0x33, v12;
	v13 =	vsel vm2, $0x37, v13;
	v14 =	vsel vm2, $0x3B, v14  }
0x121: {  	v15 =	vsel vm2, $0x3F, v15;
	v16 =	vsel vm2, $0x43, v16;
	v17 =	vsel vm2, $0x47, v17  }
0x122: {  	v18 =	vsel vm2, $0x4B, v18;
	v19 =	vsel vm2, $0x4F, v19;
	v20 =	vsel vm2, $0x53, v20  }
0x123: {  	v21 =	vsel vm2, $0x57, v21;
	v22 =	vsel vm2, $0x5B, v22;
	v23 =	vsel vm2, $0x5F, v23  }
0x124: {  	v24 =	vsel vm2, $0x63, v24;
	v25 =	vsel vm2, $0x67, v25;
	v26 =	vsel vm2, $0x6B, v26  }
0x125: {  	v27 =	vsel vm2, $0x6F, v27;
	v28 =	vsel vm2, $0x73, v28;
	v29 =	vsel vm2, $0x77, v29  }
0x126: {  	v30 =	vsel vm2, $0x7B, v30;
	v31 =	vsel vm2, $0x7F, v31;
	v32 =	vsel vm2, $0x83, v32  }
0x127: {  	v33 =	vsel vm2, $0x87, v33;
	v34 =	vsel vm2, $0x8B, v34;
	v35 =	vsel vm2, $0x8F, v35  }
0x128: {  	v36 =	vsel vm2, $0x93, v36;
	v37 =	vsel vm2, $0x97, v37;
	v38 =	vsel vm2, $0x9B, v38  }
0x129: {  	v39 =	vsel vm2, $0x9F, v39;
	v40 =	vsel vm2, $0xA3, v40;
	v41 =	vsel vm2, $0xA7, v41  }
0x12a: {  	v42 =	vsel vm2, $0xAB, v42;
	v43 =	vsel vm2, $0xAF, v43;
	v44 =	vsel vm2, $0xB3, v44  }
0x12b: {  	v45 =	vsel vm2, $0xB7, v45;
	v46 =	vsel vm2, $0xBB, v46;
	v47 =	vsel vm2, $0xBF, v47  }
0x12c: {  	v48 =	vsel vm2, $0xC3, v48;
	v49 =	vsel vm2, $0xC7, v49;
	v50 =	vsel vm2, $0xCB, v50  }
0x12d: {  	v51 =	vsel vm2, $0xCF, v51;
	v52 =	vsel vm2, $0xD3, v52;
	v53 =	vsel vm2, $0xD7, v53  }
0x12e: {  	v54 =	vsel vm2, $0xDB, v54;
	v55 =	vsel vm2, $0xDF, v55;
	v56 =	vsel vm2, $0xE3, v56  }
0x12f: {  	v57 =	vsel vm2, $0xE7, v57;
	v58 =	vsel vm2, $0xEB, v58;
	v59 =	vsel vm2, $0xEF, v59  }
0x130: {  	v60 =	vsel vm2, $0xF3, v60;
	v61 =	vsel vm2, $0xF7, v61;
	v62 =	vsel vm2, $0xFB, v62  }
0x131: {  	v63 =	vsel vm2, $0xFF, v63;
	v0 =	vsel vm1, $0x10B, v0;
	v1 =	vsel vm1, $0x10F, v1  }
0x132: {  	v2 =	vsel vm1, $0x113, v2;
	v3 =	vsel vm1, $0x117, v3;
	v4 =	vsel vm1, $0x11B, v4  }
0x133: {  	v5 =	vsel vm1, $0x11F, v5;
	v6 =	vsel vm1, $0x123, v6;
	v7 =	vsel vm1, $0x127, v7  }
0x134: {  	v8 =	vsel vm1, $0x12B, v8;
	v9 =	vsel vm1, $0x12F, v9;
	v10 =	vsel vm1, $0x133, v10  }
0x135: {  	v11 =	vsel vm1, $0x137, v11;
	v12 =	vsel vm1, $0x13B, v12;
	v13 =	vsel vm1, $0x13F, v13  }
0x136: {  	v14 =	vsel vm1, $0x143, v14;
	v15 =	vsel vm1, $0x147, v15;
	v16 =	vsel vm1, $0x14B, v16  }
0x137: {  	v17 =	vsel vm1, $0x14F, v17;
	v18 =	vsel vm1, $0x153, v18;
	v19 =	vsel vm1, $0x157, v19  }
0x138: {  	v20 =	vsel vm1, $0x15B, v20;
	v21 =	vsel vm1, $0x15F, v21;
	v22 =	vsel vm1, $0x163, v22  }
0x139: {  	v23 =	vsel vm1, $0x167, v23;
	v24 =	vsel vm1, $0x16B, v24;
	v25 =	vsel vm1, $0x16F, v25  }
0x13a: {  	v26 =	vsel vm1, $0x173, v26;
	v27 =	vsel vm1, $0x177, v27;
	v28 =	vsel vm1, $0x17B, v28  }
0x13b: {  	v29 =	vsel vm1, $0x17F, v29;
	v30 =	vsel vm1, $0x183, v30;
	v31 =	vsel vm1, $0x187, v31  }
0x13c: {  	v32 =	vsel vm1, $0x18B, v32;
	v33 =	vsel vm1, $0x18F, v33;
	v34 =	vsel vm1, $0x193, v34  }
0x13d: {  	v35 =	vsel vm1, $0x197, v35;
	v36 =	vsel vm1, $0x19B, v36;
	v37 =	vsel vm1, $0x19F, v37  }
0x13e: {  	v38 =	vsel vm1, $0x1A3, v38;
	v39 =	vsel vm1, $0x1A7, v39;
	v40 =	vsel vm1, $0x1AB, v40  }
0x13f: {  	v41 =	vsel vm1, $0x1AF, v41;
	v42 =	vsel vm1, $0x1B3, v42;
	v43 =	vsel vm1, $0x1B7, v43  }
0x140: {  	v44 =	vsel vm1, $0x1BB, v44;
	v45 =	vsel vm1, $0x1BF, v45;
	v46 =	vsel vm1, $0x1C3, v46  }
0x141: {  	v47 =	vsel vm1, $0x1C7, v47;
	v48 =	vsel vm1, $0x1CB, v48;
	v49 =	vsel vm1, $0x1CF, v49  }
0x142: {  	v50 =	vsel vm1, $0x1D3, v50;
	v51 =	vsel vm1, $0x1D7, v51;
	v52 =	vsel vm1, $0x1DB, v52  }
0x143: {  	v53 =	vsel vm1, $0x1DF, v53;
	v54 =	vsel vm1, $0x1E3, v54;
	v55 =	vsel vm1, $0x1E7, v55  }
0x144: {  	v56 =	vsel vm1, $0x1EB, v56;
	v57 =	vsel vm1, $0x1EF, v57;
	v58 =	vsel vm1, $0x1F3, v58  }
0x145: {  	v59 =	vsel vm1, $0x1F7, v59;
	v60 =	vsel vm1, $0x1FB, v60;
	v61 =	vsel vm1, $0x1FF, v61  }
0x146: {  	s1 =	srdreg.scid;
	v62 =	vsel vm1, $0x203, v62;
	v63 =	vsel vm1, $0x207, v63;
	v0 =	vsel vm0, $0x213, v0  }
0x147: {  	s0 =	stileid.u32;
	s5 =	rddreg [dreg:$0x0];
	v1 =	vsel vm0, $0x217, v1;
	v2 =	vsel vm0, $0x21B, v2;
	v3 =	vsel vm0, $0x21F, v3  }
0x148: {  	s6 =	rddreg [dreg:$0x1];
	s12 =	simm.s32 $0x318;
	s13 =	simm.s32 $0x2;
	v4 =	vsel vm0, $0x223, v4;
	v5 =	vsel vm0, $0x227, v5;
	v6 =	vsel vm0, $0x22B, v6  }
0x149: {  	s14 =	simm.s32 $0x80;
	s15 =	simm.s32 $0x420;
	s16 =	simm.s32 $0x820;
	v7 =	vsel vm0, $0x22F, v7;
	v8 =	vsel vm0, $0x233, v8;
	v9 =	vsel vm0, $0x237, v9  }
0x14a: {  	s17 =	simm.s32 $0x4A0;
	s18 =	simm.s32 $0x1820;
	s19 =	simm.s32 $0x520;
	v10 =	vsel vm0, $0x23B, v10;
	v11 =	vsel vm0, $0x23F, v11;
	v12 =	vsel vm0, $0x243, v12  }
0x14b: {  	s20 =	simm.s32 $0x2820;
	s1 =	sand.u32 $0x1, s1;
	s2 =	sshll.u32 s0, $0x1;
	v13 =	vsel vm0, $0x247, v13;
	v14 =	vsel vm0, $0x24B, v14;
	v15 =	vsel vm0, $0x24F, v15  }
0x14c: {  	s21 =	simm.s32 $0x5A0;
	s28 =	simm.s32 $0x720;
	s4 =	sor.u32 s1, s2;
	v16 =	vsel vm0, $0x253, v16;
	v17 =	vsel vm0, $0x257, v17;
	v18 =	vsel vm0, $0x25B, v18  }
0x14d: {  	s29 =	simm.s32 $0x6820;
	s3 =	sshll.u32 s0, $0xB;
	s2 =	sshll.u32 s4, $0x8;
	v19 =	vsel vm0, $0x25F, v19;
	v20 =	vsel vm0, $0x263, v20;
	v21 =	vsel vm0, $0x267, v21  }
0x14e: {  	s30 =	simm.s32 $0x7A0;
	s31 =	simm.s32 $0x7820;
	s7 =	sor.u32 s2, s3;
	v22 =	vsel vm0, $0x26B, v22;
	v23 =	vsel vm0, $0x26F, v23;
	v24 =	vsel vm0, $0x273, v24  }
0x14f: {  	s8 =	sadd.s32 $0xA00, s5;
	s5 =	sadd.s32 $0x1A00, s5;
	s3 =	sand.u32 $0x6700, s7;
	v25 =	vsel vm0, $0x277, v25;
	v26 =	vsel vm0, $0x27B, v26;
	v27 =	vsel vm0, $0x27F, v27  }
0x150: {  	s1 =	ssub.s32 $0x2, s1;
	s4 =	sshll.u32 s4, $0xC;
	s3 =	sshrl.u32 s3, $0x3;
	v28 =	vsel vm0, $0x283, v28;
	v29 =	vsel vm0, $0x287, v29;
	v30 =	vsel vm0, $0x28B, v30  }
0x151: {  	s2 =	simm.s32 $0x0;
	s7 =	sshrl.u32 s7, $0x3;
	s3 =	sadd.s32 s8, s3;
	v31 =	vsel vm0, $0x28F, v31;
	v32 =	vsel vm0, $0x293, v32;
	v33 =	vsel vm0, $0x297, v33  }
0x152: {  	[smem:$0x7FF] =	sst s2;
	s7 =	sor.u32 $0x300, s7;
	s9 =	sadd.s32 $0x100, s3;
	v34 =	vsel vm0, $0x29B, v34;
	v35 =	vsel vm0, $0x29F, v35;
	v36 =	vsel vm0, $0x2A3, v36;
	[tilespmem:$0x1FFF0] =	vst v0  }
0x153: {  	s22 =	sadd.s32 $0x200, s3;
	v37 =	vsel vm0, $0x2A7, v37;
	v38 =	vsel vm0, $0x2AB, v38;
	v39 =	vsel vm0, $0x2AF, v39;
	_ =	strace $0x80000047;
	[dreg:$0x3] =	wrdreg s9  }
0x154: {  	s4 =	sadd.s32 s6, s4;
	s7 =	sadd.s32 s8, s7;
	v40 =	vsel vm0, $0x2B3, v40;
	v41 =	vsel vm0, $0x2B7, v41;
	v42 =	vsel vm0, $0x2BB, v42;
	[dreg:$0x4] =	wrdreg s22  }
0x155: {  	s24 =	sshrl.u32 s1, $0x1;
	s6 =	sadd.s32 $0x200, s4;
	v43 =	vsel vm0, $0x2BF, v43;
	v44 =	vsel vm0, $0x2C3, v44;
	v45 =	vsel vm0, $0x2C7, v45;
	[dreg:$0x5] =	wrdreg s7  }
0x156: {  	s1 =	ssub.s32 s1, s24;
	s23 =	sadd.s32 $0x400, s4;
	v46 =	vsel vm0, $0x2CB, v46;
	v47 =	vsel vm0, $0x2CF, v47;
	v48 =	vsel vm0, $0x2D3, v48;
	[dreg:$0x6] =	wrdreg s6  }
0x157: {  	s24 =	simm.s32 $0x4820;
	s25 =	sadd.s32 $0x600, s4;
	v49 =	vsel vm0, $0x2D7, v49;
	v50 =	vsel vm0, $0x2DB, v50;
	v51 =	vsel vm0, $0x2DF, v51;
	[dreg:$0x7] =	wrdreg s23  }
0x158: {  	s26 =	sadd.s32 $0x800, s4;
	s8 =	sadd.s32 $0xE00, s4;
	v52 =	vsel vm0, $0x2E3, v52;
	v53 =	vsel vm0, $0x2E7, v53;
	v54 =	vsel vm0, $0x2EB, v54;
	[dreg:$0x8] =	wrdreg s25  }
0x159: {  	v55 =	vsel vm0, $0x2EF, v55;
	v56 =	vsel vm0, $0x2F3, v56;
	v57 =	vsel vm0, $0x2F7, v57;
	[dreg:$0x9] =	wrdreg s26;
	s6 =	sadd.s32 $0xA00, s4;
	s7 =	sadd.s32 $0xC00, s4  }
0x15a: {  	v58 =	vsel vm0, $0x2FB, v58;
	v59 =	vsel vm0, $0x2FF, v59;
	v60 =	vsel vm0, $0x303, v60;
	s9 =	smax.u32 s1, $0x1;
	s22 =	simm.s32 $0x3820;
	s23 =	simm.s32 $0x620  }
0x15b: {  	v61 =	vsel vm0, $0x307, v61;
	v62 =	vsel vm0, $0x30B, v62;
	v63 =	vsel vm0, $0x30F, v63;
	s25 =	simm.s32 $0x6A0;
	s26 =	simm.s32 $0x5820;
	s1 =	simm.s32 $0x1  }
.LBB2_1:
0x15c: {  	[tilespmem:s2], [sflag:$0x2] =	stream.linear.gather [hbm4b:s3+s2], $0x100, $0x38;
	[tilespmem:$0x8820] =	vst v63  }
0x15d: {  	s0 =	rddreg [dreg:$0x3];
	s11 =	simm.s32 $0x108  }
0x15e: {  	[tilespmem:s11], [sflag:$0x2] =	stream.linear.gather [hbm4b:s0+s2], $0x100, $0x38;
	[tilespmem:$0x8820] =	vst v63  }
0x15f: {  	s10 =	rddreg [dreg:$0x4];
	s11 =	simm.s32 $0x210  }
0x160: {  	[tilespmem:s11], [sflag:$0x2] =	stream.linear.gather [hbm4b:s10+s2], $0x100, $0x38;
	[tilespmem:$0x8820] =	vst v63  }
0x161: {  	s0 =	rddreg [dreg:$0x5]  }
0x162: {  	[tilespmem:s12], [sflag:$0x2] =	stream.linear.gather [hbm4b:s0+s2], $0x100, $0x38;
	[tilespmem:$0x8820] =	vst v63  }
0x163: {  	_ =	swait.ge [sflag:s13], $0x100  }
0x164: {  	[sflag:s13] =	ssyncset.done $0x0  }
0x165: {  	[sflag:s13] =	ssyncadd.s32 $0xFFFFFF00  }
0x166: {  	_ =	swait.ge [sflag:s13], $0x100  }
0x167: {  	[sflag:s13] =	ssyncset.done $0x0  }
0x168: {  	[sflag:s13] =	ssyncadd.s32 $0xFFFFFF00  }
0x169: {  	_ =	swait.ge [sflag:s13], $0x100  }
0x16a: {  	[sflag:s13] =	ssyncset.done $0x0  }
0x16b: {  	[sflag:s13] =	ssyncadd.s32 $0xFFFFFF00  }
0x16c: {  	_ =	swait.ge [sflag:s13], $0x100  }
0x16d: {  	v0 =	vld [tilespmem:$0x1FFF0];
	_ =	sdelay $0x5  }
0x16e: {  	[sflag:s13] =	ssyncset.done $0x0  }
0x16f: {  	[sflag:s13] =	ssyncadd.s32 $0xFFFFFF00  }
0x170: {  	v0 =	vld.idx.msk [tilespmem:v0+s2+$0x0], $0xffff;
	_ =	sdelay $0x4  }
0x171: {  	[tilespmem:$0x420] =	vst v0  }
0x172: {  	v0 =	vld.idx.msk [tilespmem:v1+s2+$0x0], $0xffff;
	_ =	sdelay $0x4  }
0x173: {  	[tilespmem:$0x430] =	vst v0  }
0x174: {  	v0 =	vld.idx.msk [tilespmem:v2+s2+$0x0], $0xffff;
	_ =	sdelay $0x4  }
0x175: {  	[tilespmem:$0x440] =	vst v0  }
0x176: {  	v0 =	vld.idx.msk [tilespmem:v3+s2+$0x0], $0xffff;
	_ =	sdelay $0x4  }
0x177: {  	[tilespmem:$0x450] =	vst v0  }
0x178: {  	v0 =	vld.idx.msk [tilespmem:v4+s2+$0x0], $0xffff;
	_ =	sdelay $0x4  }
0x179: {  	[tilespmem:$0x460] =	vst v0  }
0x17a: {  	v0 =	vld.idx.msk [tilespmem:v5+s2+$0x0], $0xffff;
	_ =	sdelay $0x4  }
0x17b: {  	[tilespmem:$0x470] =	vst v0  }
0x17c: {  	v0 =	vld.idx.msk [tilespmem:v6+s2+$0x0], $0xffff;
	_ =	sdelay $0x4  }
0x17d: {  	[tilespmem:$0x480] =	vst v0  }
0x17e: {  	v0 =	vld.idx.msk [tilespmem:v7+s2+$0x0], $0xffff;
	_ =	sdelay $0x4  }
0x17f: {  	[tilespmem:$0x490] =	vst v0  }
0x180: {  	[tilespmem:s16], [sflag:$0x1] =	stream.indirect.gather [hbm4b:s5+s14], $0x20, s15, s14, $0xb8;
	[tilespmem:$0x8820] =	vst v63  }
0x181: {  	v0 =	vld.idx.msk [tilespmem:v8+s2+$0x0], $0xffff;
	_ =	sdelay $0x4  }
0x182: {  	[tilespmem:$0x4A0] =	vst v0  }
0x183: {  	v0 =	vld.idx.msk [tilespmem:v9+s2+$0x0], $0xffff;
	_ =	sdelay $0x4  }
0x184: {  	[tilespmem:$0x4B0] =	vst v0  }
0x185: {  	v0 =	vld.idx.msk [tilespmem:v10+s2+$0x0], $0xffff;
	_ =	sdelay $0x4  }
0x186: {  	[tilespmem:$0x4C0] =	vst v0  }
0x187: {  	v0 =	vld.idx.msk [tilespmem:v11+s2+$0x0], $0xffff;
	_ =	sdelay $0x4  }
0x188: {  	[tilespmem:$0x4D0] =	vst v0  }
0x189: {  	v0 =	vld.idx.msk [tilespmem:v12+s2+$0x0], $0xffff;
	_ =	sdelay $0x4  }
0x18a: {  	[tilespmem:$0x4E0] =	vst v0  }
0x18b: {  	v0 =	vld.idx.msk [tilespmem:v13+s2+$0x0], $0xffff;
	_ =	sdelay $0x4  }
0x18c: {  	[tilespmem:$0x4F0] =	vst v0  }
0x18d: {  	v0 =	vld.idx.msk [tilespmem:v14+s2+$0x0], $0xffff;
	_ =	sdelay $0x4  }
0x18e: {  	[tilespmem:$0x500] =	vst v0  }
0x18f: {  	v0 =	vld.idx.msk [tilespmem:v15+s2+$0x0], $0xffff;
	_ =	sdelay $0x4  }
0x190: {  	[tilespmem:$0x510] =	vst v0  }
0x191: {  	[tilespmem:s18], [sflag:$0x1] =	stream.indirect.gather [hbm4b:s5+s14], $0x20, s17, s14, $0xb8;
	[tilespmem:$0x8820] =	vst v63  }
0x192: {  	v0 =	vld.idx.msk [tilespmem:v16+s2+$0x0], $0xffff;
	_ =	sdelay $0x4  }
0x193: {  	[tilespmem:$0x520] =	vst v0  }
0x194: {  	v0 =	vld.idx.msk [tilespmem:v17+s2+$0x0], $0xffff;
	_ =	sdelay $0x4  }
0x195: {  	[tilespmem:$0x530] =	vst v0  }
0x196: {  	v0 =	vld.idx.msk [tilespmem:v18+s2+$0x0], $0xffff;
	_ =	sdelay $0x4  }
0x197: {  	[tilespmem:$0x540] =	vst v0  }
0x198: {  	v0 =	vld.idx.msk [tilespmem:v19+s2+$0x0], $0xffff;
	_ =	sdelay $0x4  }
0x199: {  	[tilespmem:$0x550] =	vst v0  }
0x19a: {  	v0 =	vld.idx.msk [tilespmem:v20+s2+$0x0], $0xffff;
	_ =	sdelay $0x4  }
0x19b: {  	[tilespmem:$0x560] =	vst v0  }
0x19c: {  	v0 =	vld.idx.msk [tilespmem:v21+s2+$0x0], $0xffff;
	_ =	sdelay $0x4  }
0x19d: {  	[tilespmem:$0x570] =	vst v0  }
0x19e: {  	v0 =	vld.idx.msk [tilespmem:v22+s2+$0x0], $0xffff;
	_ =	sdelay $0x4  }
0x19f: {  	[tilespmem:$0x580] =	vst v0  }
0x1a0: {  	v0 =	vld.idx.msk [tilespmem:v23+s2+$0x0], $0xffff;
	_ =	sdelay $0x4  }
0x1a1: {  	[tilespmem:$0x590] =	vst v0  }
0x1a2: {  	[tilespmem:s20], [sflag:$0x1] =	stream.indirect.gather [hbm4b:s5+s14], $0x20, s19, s14, $0xb8;
	[tilespmem:$0x8820] =	vst v63  }
0x1a3: {  	v0 =	vld.idx.msk [tilespmem:v24+s2+$0x0], $0xffff;
	_ =	sdelay $0x4  }
0x1a4: {  	[tilespmem:$0x5A0] =	vst v0  }
0x1a5: {  	v0 =	vld.idx.msk [tilespmem:v25+s2+$0x0], $0xffff;
	_ =	sdelay $0x4  }
0x1a6: {  	[tilespmem:$0x5B0] =	vst v0  }
0x1a7: {  	v0 =	vld.idx.msk [tilespmem:v26+s2+$0x0], $0xffff;
	_ =	sdelay $0x4  }
0x1a8: {  	[tilespmem:$0x5C0] =	vst v0  }
0x1a9: {  	v0 =	vld.idx.msk [tilespmem:v27+s2+$0x0], $0xffff;
	_ =	sdelay $0x4  }
0x1aa: {  	[tilespmem:$0x5D0] =	vst v0  }
0x1ab: {  	v0 =	vld.idx.msk [tilespmem:v28+s2+$0x0], $0xffff;
	_ =	sdelay $0x4  }
0x1ac: {  	[tilespmem:$0x5E0] =	vst v0  }
0x1ad: {  	v0 =	vld.idx.msk [tilespmem:v29+s2+$0x0], $0xffff;
	_ =	sdelay $0x4  }
0x1ae: {  	[tilespmem:$0x5F0] =	vst v0  }
0x1af: {  	v0 =	vld.idx.msk [tilespmem:v30+s2+$0x0], $0xffff;
	_ =	sdelay $0x4  }
0x1b0: {  	[tilespmem:$0x600] =	vst v0  }
0x1b1: {  	v0 =	vld.idx.msk [tilespmem:v31+s2+$0x0], $0xffff;
	_ =	sdelay $0x4  }
0x1b2: {  	[tilespmem:$0x610] =	vst v0  }
0x1b3: {  	[tilespmem:s22], [sflag:$0x1] =	stream.indirect.gather [hbm4b:s5+s14], $0x20, s21, s14, $0xb8;
	[tilespmem:$0x8820] =	vst v63  }
0x1b4: {  	v0 =	vld.idx.msk [tilespmem:v32+s2+$0x0], $0xffff;
	_ =	sdelay $0x4  }
0x1b5: {  	[tilespmem:$0x620] =	vst v0  }
0x1b6: {  	v0 =	vld.idx.msk [tilespmem:v33+s2+$0x0], $0xffff;
	_ =	sdelay $0x4  }
0x1b7: {  	[tilespmem:$0x630] =	vst v0  }
0x1b8: {  	v0 =	vld.idx.msk [tilespmem:v34+s2+$0x0], $0xffff;
	_ =	sdelay $0x4  }
0x1b9: {  	[tilespmem:$0x640] =	vst v0  }
0x1ba: {  	v0 =	vld.idx.msk [tilespmem:v35+s2+$0x0], $0xffff;
	_ =	sdelay $0x4  }
0x1bb: {  	[tilespmem:$0x650] =	vst v0  }
0x1bc: {  	v0 =	vld.idx.msk [tilespmem:v36+s2+$0x0], $0xffff;
	_ =	sdelay $0x4  }
0x1bd: {  	[tilespmem:$0x660] =	vst v0  }
0x1be: {  	v0 =	vld.idx.msk [tilespmem:v37+s2+$0x0], $0xffff;
	_ =	sdelay $0x4  }
0x1bf: {  	[tilespmem:$0x670] =	vst v0  }
0x1c0: {  	v0 =	vld.idx.msk [tilespmem:v38+s2+$0x0], $0xffff;
	_ =	sdelay $0x4  }
0x1c1: {  	[tilespmem:$0x680] =	vst v0  }
0x1c2: {  	v0 =	vld.idx.msk [tilespmem:v39+s2+$0x0], $0xffff;
	_ =	sdelay $0x4  }
0x1c3: {  	[tilespmem:$0x690] =	vst v0  }
0x1c4: {  	[tilespmem:s24], [sflag:$0x1] =	stream.indirect.gather [hbm4b:s5+s14], $0x20, s23, s14, $0xb8;
	[tilespmem:$0x8820] =	vst v63  }
0x1c5: {  	v0 =	vld.idx.msk [tilespmem:v40+s2+$0x0], $0xffff;
	_ =	sdelay $0x4  }
0x1c6: {  	[tilespmem:$0x6A0] =	vst v0  }
0x1c7: {  	v0 =	vld.idx.msk [tilespmem:v41+s2+$0x0], $0xffff;
	_ =	sdelay $0x4  }
0x1c8: {  	[tilespmem:$0x6B0] =	vst v0  }
0x1c9: {  	v0 =	vld.idx.msk [tilespmem:v42+s2+$0x0], $0xffff;
	_ =	sdelay $0x4  }
0x1ca: {  	[tilespmem:$0x6C0] =	vst v0  }
0x1cb: {  	v0 =	vld.idx.msk [tilespmem:v43+s2+$0x0], $0xffff;
	_ =	sdelay $0x4  }
0x1cc: {  	[tilespmem:$0x6D0] =	vst v0  }
0x1cd: {  	v0 =	vld.idx.msk [tilespmem:v44+s2+$0x0], $0xffff;
	_ =	sdelay $0x4  }
0x1ce: {  	[tilespmem:$0x6E0] =	vst v0  }
0x1cf: {  	v0 =	vld.idx.msk [tilespmem:v45+s2+$0x0], $0xffff;
	_ =	sdelay $0x4  }
0x1d0: {  	[tilespmem:$0x6F0] =	vst v0  }
0x1d1: {  	v0 =	vld.idx.msk [tilespmem:v46+s2+$0x0], $0xffff;
	_ =	sdelay $0x4  }
0x1d2: {  	[tilespmem:$0x700] =	vst v0  }
0x1d3: {  	v0 =	vld.idx.msk [tilespmem:v47+s2+$0x0], $0xffff;
	_ =	sdelay $0x4  }
0x1d4: {  	[tilespmem:$0x710] =	vst v0  }
0x1d5: {  	[tilespmem:s26], [sflag:$0x1] =	stream.indirect.gather [hbm4b:s5+s14], $0x20, s25, s14, $0xb8;
	[tilespmem:$0x8820] =	vst v63  }
0x1d6: {  	v0 =	vld.idx.msk [tilespmem:v48+s2+$0x0], $0xffff;
	_ =	sdelay $0x4  }
0x1d7: {  	[tilespmem:$0x720] =	vst v0  }
0x1d8: {  	v0 =	vld.idx.msk [tilespmem:v49+s2+$0x0], $0xffff;
	_ =	sdelay $0x4  }
0x1d9: {  	[tilespmem:$0x730] =	vst v0  }
0x1da: {  	v0 =	vld.idx.msk [tilespmem:v50+s2+$0x0], $0xffff;
	_ =	sdelay $0x4  }
0x1db: {  	[tilespmem:$0x740] =	vst v0  }
0x1dc: {  	v0 =	vld.idx.msk [tilespmem:v51+s2+$0x0], $0xffff;
	_ =	sdelay $0x4  }
0x1dd: {  	[tilespmem:$0x750] =	vst v0  }
0x1de: {  	v0 =	vld.idx.msk [tilespmem:v52+s2+$0x0], $0xffff;
	_ =	sdelay $0x4  }
0x1df: {  	[tilespmem:$0x760] =	vst v0  }
0x1e0: {  	v0 =	vld.idx.msk [tilespmem:v53+s2+$0x0], $0xffff;
	_ =	sdelay $0x4  }
0x1e1: {  	[tilespmem:$0x770] =	vst v0  }
0x1e2: {  	v0 =	vld.idx.msk [tilespmem:v54+s2+$0x0], $0xffff;
	_ =	sdelay $0x4  }
0x1e3: {  	[tilespmem:$0x780] =	vst v0  }
0x1e4: {  	v0 =	vld.idx.msk [tilespmem:v55+s2+$0x0], $0xffff;
	_ =	sdelay $0x4  }
0x1e5: {  	[tilespmem:$0x790] =	vst v0  }
0x1e6: {  	[tilespmem:s29], [sflag:$0x1] =	stream.indirect.gather [hbm4b:s5+s14], $0x20, s28, s14, $0xb8;
	[tilespmem:$0x8820] =	vst v63  }
0x1e7: {  	v0 =	vld.idx.msk [tilespmem:v56+s2+$0x0], $0xffff;
	_ =	sdelay $0x4  }
0x1e8: {  	[tilespmem:$0x7A0] =	vst v0  }
0x1e9: {  	v0 =	vld.idx.msk [tilespmem:v57+s2+$0x0], $0xffff;
	_ =	sdelay $0x4  }
0x1ea: {  	[tilespmem:$0x7B0] =	vst v0  }
0x1eb: {  	v0 =	vld.idx.msk [tilespmem:v58+s2+$0x0], $0xffff;
	_ =	sdelay $0x4  }
0x1ec: {  	[tilespmem:$0x7C0] =	vst v0  }
0x1ed: {  	v0 =	vld.idx.msk [tilespmem:v59+s2+$0x0], $0xffff;
	_ =	sdelay $0x4  }
0x1ee: {  	[tilespmem:$0x7D0] =	vst v0  }
0x1ef: {  	v0 =	vld.idx.msk [tilespmem:v60+s2+$0x0], $0xffff;
	_ =	sdelay $0x4  }
0x1f0: {  	[tilespmem:$0x7E0] =	vst v0  }
0x1f1: {  	v0 =	vld.idx.msk [tilespmem:v61+s2+$0x0], $0xffff;
	_ =	sdelay $0x4  }
0x1f2: {  	[tilespmem:$0x7F0] =	vst v0  }
0x1f3: {  	v0 =	vld.idx.msk [tilespmem:v62+s2+$0x0], $0xffff;
	_ =	sdelay $0x4  }
0x1f4: {  	[tilespmem:$0x800] =	vst v0  }
0x1f5: {  	v0 =	vld.idx.msk [tilespmem:v63+s2+$0x0], $0xffff;
	_ =	sdelay $0x4  }
0x1f6: {  	[tilespmem:$0x810] =	vst v0  }
0x1f7: {  	[tilespmem:s31], [sflag:$0x1] =	stream.indirect.gather [hbm4b:s5+s14], $0x20, s30, s14, $0xb8;
	[tilespmem:$0x8820] =	vst v63  }
0x1f8: {  	_ =	swait.ge [sflag:s1], $0x1000  }
0x1f9: {  	[sflag:s1] =	ssyncset.done $0x0  }
0x1fa: {  	[sflag:s1] =	ssyncadd.s32 $0xFFFFF000  }
0x1fb: {  	[hbm4b:s4+s2] =	stream.linear.scatter [tilespmem:s16], [sflag:$0x2], $0x1000, $0x38;
	[tilespmem:$0x8820] =	vst v63  }
0x1fc: {  	_ =	swait.ge [sflag:s1], $0x1000  }
0x1fd: {  	[sflag:s1] =	ssyncset.done $0x0  }
0x1fe: {  	s10 =	rddreg [dreg:$0x6];
	[sflag:s1] =	ssyncadd.s32 $0xFFFFF000  }
0x1ff: {  	[hbm4b:s10+s2] =	stream.linear.scatter [tilespmem:s18], [sflag:$0x2], $0x1000, $0x38;
	[tilespmem:$0x8820] =	vst v63  }
0x200: {  	_ =	swait.ge [sflag:s1], $0x1000  }
0x201: {  	[sflag:s1] =	ssyncset.done $0x0  }
0x202: {  	s11 =	rddreg [dreg:$0x7];
	[sflag:s1] =	ssyncadd.s32 $0xFFFFF000  }
0x203: {  	[hbm4b:s11+s2] =	stream.linear.scatter [tilespmem:s20], [sflag:$0x2], $0x1000, $0x38;
	[tilespmem:$0x8820] =	vst v63  }
0x204: {  	_ =	swait.ge [sflag:s1], $0x1000  }
0x205: {  	[sflag:s1] =	ssyncset.done $0x0  }
0x206: {  	s10 =	rddreg [dreg:$0x8];
	[sflag:s1] =	ssyncadd.s32 $0xFFFFF000  }
0x207: {  	[hbm4b:s10+s2] =	stream.linear.scatter [tilespmem:s22], [sflag:$0x2], $0x1000, $0x38;
	[tilespmem:$0x8820] =	vst v63  }
0x208: {  	_ =	swait.ge [sflag:s1], $0x1000  }
0x209: {  	[sflag:s1] =	ssyncset.done $0x0  }
0x20a: {  	s11 =	rddreg [dreg:$0x9];
	[sflag:s1] =	ssyncadd.s32 $0xFFFFF000  }
0x20b: {  	[hbm4b:s11+s2] =	stream.linear.scatter [tilespmem:s24], [sflag:$0x2], $0x1000, $0x38;
	[tilespmem:$0x8820] =	vst v63  }
0x20c: {  	_ =	swait.ge [sflag:s1], $0x1000  }
0x20d: {  	[sflag:s1] =	ssyncset.done $0x0  }
0x20e: {  	[sflag:s1] =	ssyncadd.s32 $0xFFFFF000  }
0x20f: {  	[hbm4b:s6+s2] =	stream.linear.scatter [tilespmem:s26], [sflag:$0x2], $0x1000, $0x38;
	[tilespmem:$0x8820] =	vst v63  }
0x210: {  	_ =	swait.ge [sflag:s1], $0x1000  }
0x211: {  	[sflag:s1] =	ssyncset.done $0x0  }
0x212: {  	[sflag:s1] =	ssyncadd.s32 $0xFFFFF000  }
0x213: {  	[hbm4b:s7+s2] =	stream.linear.scatter [tilespmem:s29], [sflag:$0x2], $0x1000, $0x38;
	[tilespmem:$0x8820] =	vst v63  }
0x214: {  	_ =	swait.ge [sflag:s1], $0x1000  }
0x215: {  	[sflag:s1] =	ssyncset.done $0x0  }
0x216: {  	[sflag:s1] =	ssyncadd.s32 $0xFFFFF000  }
0x217: {  	[hbm4b:s8+s2] =	stream.linear.scatter [tilespmem:s31], [sflag:$0x2], $0x1000, $0x38;
	[tilespmem:$0x8820] =	vst v63  }
0x218: {  	_ =	swait.ge [sflag:s13], $0x1000  }
0x219: {  	[sflag:s13] =	ssyncset.done $0x0  }
0x21a: {  	[sflag:s13] =	ssyncadd.s32 $0xFFFFF000  }
0x21b: {  	_ =	swait.ge [sflag:s13], $0x1000  }
0x21c: {  	[sflag:s13] =	ssyncset.done $0x0  }
0x21d: {  	[sflag:s13] =	ssyncadd.s32 $0xFFFFF000  }
0x21e: {  	_ =	swait.ge [sflag:s13], $0x1000  }
0x21f: {  	[sflag:s13] =	ssyncset.done $0x0  }
0x220: {  	[sflag:s13] =	ssyncadd.s32 $0xFFFFF000  }
0x221: {  	_ =	swait.ge [sflag:s13], $0x1000  }
0x222: {  	[sflag:s13] =	ssyncset.done $0x0  }
0x223: {  	[sflag:s13] =	ssyncadd.s32 $0xFFFFF000  }
0x224: {  	_ =	swait.ge [sflag:s13], $0x1000  }
0x225: {  	[sflag:s13] =	ssyncset.done $0x0  }
0x226: {  	[sflag:s13] =	ssyncadd.s32 $0xFFFFF000  }
0x227: {  	_ =	swait.ge [sflag:s13], $0x1000  }
0x228: {  	[sflag:s13] =	ssyncset.done $0x0  }
0x229: {  	[sflag:s13] =	ssyncadd.s32 $0xFFFFF000  }
0x22a: {  	p0 =	sne.s32 s9, $0x1;
	_ =	swait.ge [sflag:s13], $0x1000  }
.Ltmp0:
0x22b: {  	[sflag:s13] =	ssyncset.done $0x0;
	(pc) =	sbr.rel @p0 .LBB2_1-.Ltmp0, $4  }
0x22c: {  	[sflag:s13] =	ssyncadd.s32 $0xFFFFF000  }
0x22d: {  	_ =	swait.ge [sflag:s13], $0x1000  }
0x22e: {  	[sflag:s13] =	ssyncset.done $0x0  }
0x22f: {  	s9 =	sadd.s32 $0xFFFFFFFF, s9;
	[sflag:s13] =	ssyncadd.s32 $0xFFFFF000  }
0x230: {  	_ =	sfence.sel $0x180000  }
0x231: {  	[bflag:$0x0] =	sbarrier.arrive $0xFFFF  }
0x232: {  	_ =	strace $0x90000047  }
0x233: {  	s0 =	stileid.u32;
	[bflag:$0x2] =	sbarrier.arrive $0xFFFF  }
0x234: {  	p0 =	sne.s32 s0, $0x0;
	s0 =	rddreg [dreg:$0x2]  }
0x235: {  	s0 =	sadd.s32 @!p0 $0x100000, s0  }
0x236: {  	[sflag:s0] =	ssyncadd.tile.s32 @!p0 $0x1;
	_ =	shalt  }
.Lfunc_end2:
_tile_overlayer_lowered:
.L_overlay_start_2:
0x237: {  	(tag) =	ssettag $0x2  }
0x238: {  	s0 =	rddreg [dreg:$0x0];
	s2 =	stileid.u32  }
0x239: {  	s1 =	rddreg [dreg:$0x1];
	p0 =	sne.s32 s2, $0x0  }
0x23a: {  	s3 =	rddreg [dreg:$0x2];
	[bflag:$0x3] =	sbarrier.arrive $0xFFFF;
	s2 =	simm.s32 @!p0 $0x1C03  }
0x23b: {  	[timem:s3], [sflag:s2] =	dma.local @!p0 [hbm:s0], s1  }
0x23c: {  	s0 =	simm.s32 @!p0 $0x3  }
0x23d: {  	_ =	swait.ge @!p0 [sflag:s0], s1  }
0x23e: {  	s1 =	ssub.s32 @!p0 $0x0, s1;
	[sflag:s0] =	ssyncset.done @!p0 $0x0  }
0x23f: {  	[sflag:s0] =	ssyncadd.s32 @!p0 s1  }
0x240: {  	[bflag:$0x3] =	sbarrier.arrive $0xFFFF  }
0x241: {  	_ =	shalt  }

</sc_bundles>
